<compile_context>
chip_gen: v7x
topology: tpu7x:2x2x1
jax: 0.10.2.dev20260603
libtpu: 0.0.44.dev20260713+nightly
codegen_flags: <defaults>
</compile_context>

<pallas_src>
import functools

import jax
import jax.numpy as jnp
from jax import lax
from jax.experimental import pallas as pl
from jax.experimental.pallas import tpu as pltpu
from jax.experimental.pallas import tpu_sc as plsc

_V = 8192
_D = 64
_B = 1048576
_C = 16384
_NCH = _B // _C
_CB = _C // 128
_NB = 2


def _make_gather():
    info = plsc.get_sparse_core_info()
    mesh = plsc.VectorSubcoreMesh(core_axis_name="c", subcore_axis_name="s")

    @functools.partial(
        pl.kernel,
        mesh=mesh,
        out_type=jax.ShapeDtypeStruct((8, _B // 128, 8, 128), jnp.float32),
        scratch_types=[
            pltpu.VMEM((2, _V), jnp.float32),
            pltpu.VMEM((_NB, _C), jnp.int32),
            pltpu.VMEM((_NB, _CB, 2, 128), jnp.float32),
            pltpu.VMEM_SHARED((_NB, _C), jnp.int32),
            [pltpu.SemaphoreType.DMA] * _NB,
            [pltpu.SemaphoreType.DMA] * _NB,
            [pltpu.SemaphoreType.DMA] * _NB,
        ],
        compiler_params=pltpu.CompilerParams(
            use_tc_tiling_on_sc=False, needs_layout_passes=False),
    )
    def gather_kernel(idx_hbm, ct_hbm, out_hbm, cols, idxb, outb, sidx,
                      hsems, lsems, wsems):
        sid = lax.axis_index("s")
        wid = sid * info.num_cores + lax.axis_index("c")
        d0 = wid * 2
        a = d0 // 8
        c = d0 % 8

        pltpu.sync_copy(ct_hbm.at[pl.ds(d0, 2)], cols)

        def start_hbm_idx(q, b):
            @pl.when(sid == 0)
            def _():
                off = pl.multiple_of(q * _C, 8)
                pltpu.async_copy(idx_hbm.at[pl.ds(off, _C)], sidx.at[b],
                                 hsems[b])

        def wait_hbm_idx(q, b):
            @pl.when(sid == 0)
            def _():
                off = pl.multiple_of(q * _C, 8)
                pltpu.make_async_copy(idx_hbm.at[pl.ds(off, _C)], sidx.at[b],
                                      hsems[b]).wait()

        def start_local_idx(b):
            pltpu.async_copy(sidx.at[b], idxb.at[b], lsems[b])

        def wait_local_idx(b):
            pltpu.make_async_copy(sidx.at[b], idxb.at[b], lsems[b]).wait()

        def compute(b):
            @plsc.parallel_loop(0, _CB, unroll=8)
            def bb_body(bb):
                for u in range(8):
                    ivec = idxb[b, pl.ds(bb * 128 + u * 16, 16)]
                    for dl in range(2):
                        vals = plsc.load_gather(cols.at[dl], [ivec])
                        outb[b, bb, dl, pl.ds(u * 16, 16)] = vals

        def start_write(q, b):
            pltpu.async_copy(
                outb.at[b], out_hbm.at[a, pl.ds(q * _CB, _CB), pl.ds(c, 2)],
                wsems[b])

        def wait_write(q, b):
            pltpu.make_async_copy(
                outb.at[b], out_hbm.at[a, pl.ds(q * _CB, _CB), pl.ds(c, 2)],
                wsems[b]).wait()

        start_hbm_idx(0, 0)

        def body(p, carry):
            for bpar in range(_NB):
                pp = p * _NB + bpar
                bc = bpar ^ 1
                q = pp - 1

                @pl.when(jnp.logical_and(q >= 0, q < _NCH))
                def _():
                    wait_local_idx(bc)

                @pl.when(pp < _NCH)
                def _():
                    wait_hbm_idx(pp, bpar)

                plsc.subcore_barrier()

                @pl.when(pp + 1 < _NCH)
                def _():
                    start_hbm_idx(pp + 1, bc)

                @pl.when(pp < _NCH)
                def _():
                    start_local_idx(bpar)

                @pl.when(jnp.logical_and(q >= 0, q < _NCH))
                def _():
                    @pl.when(q >= 2)
                    def _():
                        wait_write(q - 2, bc)

                    compute(bc)
                    start_write(q, bc)
            return carry

        lax.fori_loop(0, (_NCH + 2) // _NB, body, 0)

        for q in (_NCH - 2, _NCH - 1):
            wait_write(q, q % _NB)

    return gather_kernel


_gather = _make_gather()


def kernel(indexes, codebook):
    idx = indexes.astype(jnp.int32)
    ct = codebook.T
    out4 = _gather(idx, ct)
    return out4.transpose(1, 3, 0, 2).reshape(_B, _D)

# --- scband reference (transcript-rebuilt; emitter-appended) ---
"""Pipeline reference for scband-quantized-params-69647189672121 (READ-ONLY COPY).

The authoritative reference and input builder live on the scoring server;
editing this copy changes nothing except your own understanding.
"""

import jax, jax.numpy as jnp
import numpy as np


def setup_inputs(seed: int = 0) -> dict:
    key = jax.random.key(seed)
    k1, k2 = jax.random.split(key)
    indexes = jax.random.randint(k1, (1048576,), 0, 8192, dtype=jnp.int32)
    codebook = jax.random.normal(k2, (8192, 64), dtype=jnp.float32)
    return {"indexes": indexes, "codebook": codebook}


def reference(indexes, codebook):
    # Faithful translation of: self.codebook[self.indexes.to(torch.int32)]
    idx = indexes.astype(jnp.int32)
    return jnp.take(codebook, idx, axis=0)

if __name__ == "__main__":
    import jax
    _d = setup_inputs()
    print(jax.jit(kernel)(*tuple(_d.values())))

</pallas_src>

<mosaic_0001>
#map = affine_map<(d0, d1) -> (0)>
#map1 = affine_map<(d0, d1) -> (0, 0)>
#map2 = affine_map<(d0, d1) -> (0, 0, 0, 0)>
module attributes {stable_mosaic.version = 14 : i64} {
  func.func @gather_kernel(%arg0: i32, %arg1: i32, %arg2: memref<1048576xi32, #tpu.memory_space<hbm>>, %arg3: memref<64x8192xf32, #tpu.memory_space<hbm>>, %arg4: memref<8x8192x8x128xf32, #tpu.memory_space<hbm>>, %arg5: memref<2x8192xf32, #tpu.memory_space<vmem>>, %arg6: memref<2x16384xi32, #tpu.memory_space<vmem>>, %arg7: memref<2x128x2x128xf32, #tpu.memory_space<vmem>>, %arg8: memref<2x16384xi32, #tpu.memory_space<vmem_shared>>, %arg9: memref<!tpu.dma_semaphore, #tpu.memory_space<semaphore_mem>>, %arg10: memref<!tpu.dma_semaphore, #tpu.memory_space<semaphore_mem>>, %arg11: memref<!tpu.dma_semaphore, #tpu.memory_space<semaphore_mem>>, %arg12: memref<!tpu.dma_semaphore, #tpu.memory_space<semaphore_mem>>, %arg13: memref<!tpu.dma_semaphore, #tpu.memory_space<semaphore_mem>>, %arg14: memref<!tpu.dma_semaphore, #tpu.memory_space<semaphore_mem>>) attributes {dimension_semantics = [#tpu.dimension_semantics<core_parallel>, #tpu.dimension_semantics<subcore_parallel>], iteration_bounds = array<i64: 2, 16>, scalar_prefetch = 0 : i64, scratch_operands = 10 : i64, tpu.core_type = #tpu.core_type<sc_vector_subcore>, window_params = [{transform_indices = #map}, {transform_indices = #map1}, {transform_indices = #map2}]} {
    %mul3A = arith.constant 2 : i32
    %mul3A_0 = arith.muli %arg1, %mul3A : i32
    %add3A = arith.addi %mul3A_0, %arg0 : i32
    %mul3A_1 = arith.constant 2 : i32
    %mul3A_2 = arith.muli %add3A, %mul3A_1 : i32
    %jit3A = arith.constant 8 : i32
    %div3A = arith.divsi %mul3A_2, %jit3A : i32
    %sign3A = arith.constant 0 : i32
    %sign3A_3 = arith.cmpi sgt, %mul3A_2, %sign3A : i32
    %sign3A_4 = arith.extui %sign3A_3 : i1 to i32
    %sign3A_5 = arith.constant 0 : i32
    %sign3A_6 = arith.cmpi slt, %mul3A_2, %sign3A_5 : i32
    %sign3A_7 = arith.extui %sign3A_6 : i1 to i32
    %sign3A_8 = arith.subi %sign3A_4, %sign3A_7 : i32
    %sign3A_9 = arith.constant 0 : i32
    %sign3A_10 = arith.cmpi sgt, %jit3A, %sign3A_9 : i32
    %sign3A_11 = arith.extui %sign3A_10 : i1 to i32
    %sign3A_12 = arith.constant 0 : i32
    %sign3A_13 = arith.cmpi slt, %jit3A, %sign3A_12 : i32
    %sign3A_14 = arith.extui %sign3A_13 : i1 to i32
    %sign3A_15 = arith.subi %sign3A_11, %sign3A_14 : i32
    %ne3A = arith.cmpi ne, %sign3A_8, %sign3A_15 : i32
    %rem3A = arith.remsi %mul3A_2, %jit3A : i32
    %ne3A_16 = arith.constant 0 : i32
    %ne3A_17 = arith.cmpi ne, %rem3A, %ne3A_16 : i32
    %and3A = arith.andi %ne3A, %ne3A_17 : i1
    %sub3A = arith.constant 1 : i32
    %sub3A_18 = arith.subi %div3A, %sub3A : i32
    %select_n3A = arith.select %and3A, %sub3A_18, %div3A : i32
    %jit3A_19 = arith.constant 8 : i32
    %eq3A = arith.constant 0 : i32
    %eq3A_20 = arith.cmpi eq, %jit3A_19, %eq3A : i32
    %jit3A_21 = arith.constant 1 : i32
    %select_n3A_22 = arith.select %eq3A_20, %jit3A_21, %jit3A_19 : i32
    %rem3A_23 = arith.remsi %mul3A_2, %select_n3A_22 : i32
    %ne3A_24 = arith.constant 0 : i32
    %ne3A_25 = arith.cmpi ne, %rem3A_23, %ne3A_24 : i32
    %lt3A = arith.constant 0 : i32
    %lt3A_26 = arith.cmpi slt, %rem3A_23, %lt3A : i32
    %lt3A_27 = arith.constant 0 : i32
    %lt3A_28 = arith.cmpi slt, %select_n3A_22, %lt3A_27 : i32
    %ne3A_29 = arith.xori %lt3A_26, %lt3A_28 : i1
    %and3A_30 = arith.andi %ne3A_29, %ne3A_25 : i1
    %add3A_31 = arith.addi %rem3A_23, %select_n3A_22 : i32
    %select_n3A_32 = arith.select %and3A_30, %add3A_31, %rem3A_23 : i32
    "tpu.region"() ({
      %run_scoped3A = tpu.sem_alloc : memref<!tpu.dma_semaphore, #tpu.memory_space<semaphore_mem>>
      %dma_start3A = arith.constant 0 : i32
      %dma_start3A_78 = tpu.memref_slice %arg3[%mul3A_2, %dma_start3A] : memref<64x8192xf32, #tpu.memory_space<hbm>> -> memref<2x8192xf32, #tpu.memory_space<hbm>>
      %dma_start3A_79 = arith.constant 0 : i32
      %dma_start3A_80 = tpu.memref_slice %arg3[%mul3A_2, %dma_start3A_79] : memref<64x8192xf32, #tpu.memory_space<hbm>> -> memref<2x8192xf32, #tpu.memory_space<hbm>>
      tpu.enqueue_dma source(%dma_start3A_80 : memref<2x8192xf32, #tpu.memory_space<hbm>>) target(%arg5 : memref<2x8192xf32, #tpu.memory_space<vmem>>) target_semaphore(%run_scoped3A : memref<!tpu.dma_semaphore, #tpu.memory_space<semaphore_mem>>)
      %dma_wait3A_81 = arith.constant 0 : i32
      %dma_wait3A_82 = tpu.memref_slice %arg3[%mul3A_2, %dma_wait3A_81] : memref<64x8192xf32, #tpu.memory_space<hbm>> -> memref<2x8192xf32, #tpu.memory_space<hbm>>
      %dma_wait3A_83 = arith.constant 0 : i32
      %dma_wait3A_84 = tpu.memref_slice %arg3[%mul3A_2, %dma_wait3A_83] : memref<64x8192xf32, #tpu.memory_space<hbm>> -> memref<2x8192xf32, #tpu.memory_space<hbm>>
      tpu.wait_dma2 semaphore(%run_scoped3A : memref<!tpu.dma_semaphore, #tpu.memory_space<semaphore_mem>>) src(%dma_wait3A_84 : memref<2x8192xf32, #tpu.memory_space<hbm>>) dst(%arg5 : memref<2x8192xf32, #tpu.memory_space<vmem>>)
      tpu.yield
    }) : () -> ()
    %eq3A_33 = arith.constant 0 : i32
    %eq3A_34 = arith.cmpi eq, %arg1, %eq3A_33 : i32
    %convert_element_type3A = arith.extui %eq3A_34 : i1 to i32
    %cond3A = arith.constant 0 : i32
    %cond3A_35 = arith.cmpi ne, %convert_element_type3A, %cond3A : i32
    scf.if %cond3A_35 {
      %multiple_of3A = arith.constant 0 : i32
      %multiple_of3A_78 = tpu.assume_multiple %multiple_of3A, 8 : i32
      %dma_start3A = arith.constant 0 : i32
      %dma_start3A_79 = arith.constant 0 : i32
      %dma_start3A_80 = tpu.memref_slice %arg8[%dma_start3A, %dma_start3A_79] : memref<2x16384xi32, #tpu.memory_space<vmem_shared>> -> memref<1x16384xi32, #tpu.memory_space<vmem_shared>>
      %dma_start3A_81 = tpu.memref_squeeze %dma_start3A_80 : memref<1x16384xi32, #tpu.memory_space<vmem_shared>> -> memref<16384xi32, #tpu.memory_space<vmem_shared>>
      %dma_start3A_82 = tpu.memref_slice %arg2[%multiple_of3A_78] : memref<1048576xi32, #tpu.memory_space<hbm>> -> memref<16384xi32, #tpu.memory_space<hbm>>
      tpu.enqueue_dma source(%dma_start3A_82 : memref<16384xi32, #tpu.memory_space<hbm>>) target(%dma_start3A_81 : memref<16384xi32, #tpu.memory_space<vmem_shared>>) target_semaphore(%arg9 : memref<!tpu.dma_semaphore, #tpu.memory_space<semaphore_mem>>)
    } else {
    }
    %scan3A = arith.constant 0 : i32
    %scan3A_36 = arith.constant 0 : i32
    %scan3A_37 = arith.constant 33 : i32
    %scan3A_38 = arith.addi %scan3A_36, %scan3A_37 : i32
    %scan3A_39 = arith.constant 1 : i32
    scf.for %scan3A_78 = %scan3A_36 to %scan3A_38 step %scan3A_39  : i32 {
      %mul3A_79 = arith.constant 2 : i32
      %mul3A_80 = arith.muli %scan3A_78, %mul3A_79 : i32
      %add3A_81 = arith.constant 0 : i32
      %add3A_82 = arith.addi %mul3A_80, %add3A_81 : i32
      %sub3A_83 = arith.constant 1 : i32
      %sub3A_84 = arith.subi %add3A_82, %sub3A_83 : i32
      %ge3A = arith.constant 0 : i32
      %ge3A_85 = arith.cmpi sge, %sub3A_84, %ge3A : i32
      %lt3A_86 = arith.constant 64 : i32
      %lt3A_87 = arith.cmpi slt, %sub3A_84, %lt3A_86 : i32
      %and3A_88 = arith.andi %ge3A_85, %lt3A_87 : i1
      %convert_element_type3A_89 = arith.extui %and3A_88 : i1 to i32
      %cond3A_90 = arith.constant 0 : i32
      %cond3A_91 = arith.cmpi ne, %convert_element_type3A_89, %cond3A_90 : i32
      scf.if %cond3A_91 {
        %dma_wait3A_157 = arith.constant 1 : i32
        %dma_wait3A_158 = arith.constant 1 : i32
        %dma_wait3A_159 = arith.constant 0 : i32
        %dma_wait3A_160 = tpu.memref_slice %arg6[%dma_wait3A_158, %dma_wait3A_159] : memref<2x16384xi32, #tpu.memory_space<vmem>> -> memref<1x16384xi32, #tpu.memory_space<vmem>>
        %dma_wait3A_161 = tpu.memref_squeeze %dma_wait3A_160 : memref<1x16384xi32, #tpu.memory_space<vmem>> -> memref<16384xi32, #tpu.memory_space<vmem>>
        %dma_wait3A_162 = arith.constant 0 : i32
        %dma_wait3A_163 = tpu.memref_slice %arg8[%dma_wait3A_157, %dma_wait3A_162] : memref<2x16384xi32, #tpu.memory_space<vmem_shared>> -> memref<1x16384xi32, #tpu.memory_space<vmem_shared>>
        %dma_wait3A_164 = tpu.memref_squeeze %dma_wait3A_163 : memref<1x16384xi32, #tpu.memory_space<vmem_shared>> -> memref<16384xi32, #tpu.memory_space<vmem_shared>>
        %dma_wait3A_165 = arith.constant 0 : i32
        %dma_wait3A_166 = tpu.memref_slice %arg6[%dma_wait3A_158, %dma_wait3A_165] : memref<2x16384xi32, #tpu.memory_space<vmem>> -> memref<1x16384xi32, #tpu.memory_space<vmem>>
        %dma_wait3A_167 = tpu.memref_squeeze %dma_wait3A_166 : memref<1x16384xi32, #tpu.memory_space<vmem>> -> memref<16384xi32, #tpu.memory_space<vmem>>
        %dma_wait3A_168 = arith.constant 0 : i32
        %dma_wait3A_169 = tpu.memref_slice %arg8[%dma_wait3A_157, %dma_wait3A_168] : memref<2x16384xi32, #tpu.memory_space<vmem_shared>> -> memref<1x16384xi32, #tpu.memory_space<vmem_shared>>
        %dma_wait3A_170 = tpu.memref_squeeze %dma_wait3A_169 : memref<1x16384xi32, #tpu.memory_space<vmem_shared>> -> memref<16384xi32, #tpu.memory_space<vmem_shared>>
        tpu.wait_dma2 semaphore(%arg12 : memref<!tpu.dma_semaphore, #tpu.memory_space<semaphore_mem>>) src(%dma_wait3A_170 : memref<16384xi32, #tpu.memory_space<vmem_shared>>) dst(%dma_wait3A_167 : memref<16384xi32, #tpu.memory_space<vmem>>)
      } else {
      }
      %lt3A_92 = arith.constant 64 : i32
      %lt3A_93 = arith.cmpi slt, %add3A_82, %lt3A_92 : i32
      %convert_element_type3A_94 = arith.extui %lt3A_93 : i1 to i32
      %cond3A_95 = arith.constant 0 : i32
      %cond3A_96 = arith.cmpi ne, %convert_element_type3A_94, %cond3A_95 : i32
      scf.if %cond3A_96 {
        %eq3A_157 = arith.constant 0 : i32
        %eq3A_158 = arith.cmpi eq, %arg1, %eq3A_157 : i32
        %convert_element_type3A_159 = arith.extui %eq3A_158 : i1 to i32
        %cond3A_160 = arith.constant 0 : i32
        %cond3A_161 = arith.cmpi ne, %convert_element_type3A_159, %cond3A_160 : i32
        scf.if %cond3A_161 {
          %mul3A_162 = arith.constant 16384 : i32
          %mul3A_163 = arith.muli %add3A_82, %mul3A_162 : i32
          %multiple_of3A = tpu.assume_multiple %mul3A_163, 8 : i32
          %dma_wait3A_164 = arith.constant 0 : i32
          %dma_wait3A_165 = arith.constant 0 : i32
          %dma_wait3A_166 = tpu.memref_slice %arg8[%dma_wait3A_164, %dma_wait3A_165] : memref<2x16384xi32, #tpu.memory_space<vmem_shared>> -> memref<1x16384xi32, #tpu.memory_space<vmem_shared>>
          %dma_wait3A_167 = tpu.memref_squeeze %dma_wait3A_166 : memref<1x16384xi32, #tpu.memory_space<vmem_shared>> -> memref<16384xi32, #tpu.memory_space<vmem_shared>>
          %dma_wait3A_168 = tpu.memref_slice %arg2[%multiple_of3A] : memref<1048576xi32, #tpu.memory_space<hbm>> -> memref<16384xi32, #tpu.memory_space<hbm>>
          tpu.wait_dma2 semaphore(%arg9 : memref<!tpu.dma_semaphore, #tpu.memory_space<semaphore_mem>>) src(%dma_wait3A_168 : memref<16384xi32, #tpu.memory_space<hbm>>) dst(%dma_wait3A_167 : memref<16384xi32, #tpu.memory_space<vmem_shared>>)
        } else {
        }
      } else {
      }
      %barrier3A = arith.constant 0 : index
      tpu.barrier barrier_id(%barrier3A)
      %add3A_97 = arith.constant 1 : i32
      %add3A_98 = arith.addi %add3A_82, %add3A_97 : i32
      %lt3A_99 = arith.constant 64 : i32
      %lt3A_100 = arith.cmpi slt, %add3A_98, %lt3A_99 : i32
      %convert_element_type3A_101 = arith.extui %lt3A_100 : i1 to i32
      %cond3A_102 = arith.constant 0 : i32
      %cond3A_103 = arith.cmpi ne, %convert_element_type3A_101, %cond3A_102 : i32
      scf.if %cond3A_103 {
        %add3A_157 = arith.constant 1 : i32
        %add3A_158 = arith.addi %add3A_82, %add3A_157 : i32
        %eq3A_159 = arith.constant 0 : i32
        %eq3A_160 = arith.cmpi eq, %arg1, %eq3A_159 : i32
        %convert_element_type3A_161 = arith.extui %eq3A_160 : i1 to i32
        %cond3A_162 = arith.constant 0 : i32
        %cond3A_163 = arith.cmpi ne, %convert_element_type3A_161, %cond3A_162 : i32
        scf.if %cond3A_163 {
          %mul3A_164 = arith.constant 16384 : i32
          %mul3A_165 = arith.muli %add3A_158, %mul3A_164 : i32
          %multiple_of3A = tpu.assume_multiple %mul3A_165, 8 : i32
          %dma_start3A = arith.constant 1 : i32
          %dma_start3A_166 = arith.constant 0 : i32
          %dma_start3A_167 = tpu.memref_slice %arg8[%dma_start3A, %dma_start3A_166] : memref<2x16384xi32, #tpu.memory_space<vmem_shared>> -> memref<1x16384xi32, #tpu.memory_space<vmem_shared>>
          %dma_start3A_168 = tpu.memref_squeeze %dma_start3A_167 : memref<1x16384xi32, #tpu.memory_space<vmem_shared>> -> memref<16384xi32, #tpu.memory_space<vmem_shared>>
          %dma_start3A_169 = tpu.memref_slice %arg2[%multiple_of3A] : memref<1048576xi32, #tpu.memory_space<hbm>> -> memref<16384xi32, #tpu.memory_space<hbm>>
          tpu.enqueue_dma source(%dma_start3A_169 : memref<16384xi32, #tpu.memory_space<hbm>>) target(%dma_start3A_168 : memref<16384xi32, #tpu.memory_space<vmem_shared>>) target_semaphore(%arg10 : memref<!tpu.dma_semaphore, #tpu.memory_space<semaphore_mem>>)
        } else {
        }
      } else {
      }
      %lt3A_104 = arith.constant 64 : i32
      %lt3A_105 = arith.cmpi slt, %add3A_82, %lt3A_104 : i32
      %convert_element_type3A_106 = arith.extui %lt3A_105 : i1 to i32
      %cond3A_107 = arith.constant 0 : i32
      %cond3A_108 = arith.cmpi ne, %convert_element_type3A_106, %cond3A_107 : i32
      scf.if %cond3A_108 {
        %dma_start3A = arith.constant 0 : i32
        %dma_start3A_157 = arith.constant 0 : i32
        %dma_start3A_158 = arith.constant 0 : i32
        %dma_start3A_159 = tpu.memref_slice %arg6[%dma_start3A_157, %dma_start3A_158] : memref<2x16384xi32, #tpu.memory_space<vmem>> -> memref<1x16384xi32, #tpu.memory_space<vmem>>
        %dma_start3A_160 = tpu.memref_squeeze %dma_start3A_159 : memref<1x16384xi32, #tpu.memory_space<vmem>> -> memref<16384xi32, #tpu.memory_space<vmem>>
        %dma_start3A_161 = arith.constant 0 : i32
        %dma_start3A_162 = tpu.memref_slice %arg8[%dma_start3A, %dma_start3A_161] : memref<2x16384xi32, #tpu.memory_space<vmem_shared>> -> memref<1x16384xi32, #tpu.memory_space<vmem_shared>>
        %dma_start3A_163 = tpu.memref_squeeze %dma_start3A_162 : memref<1x16384xi32, #tpu.memory_space<vmem_shared>> -> memref<16384xi32, #tpu.memory_space<vmem_shared>>
        %dma_start3A_164 = arith.constant 0 : i32
        %dma_start3A_165 = tpu.memref_slice %arg6[%dma_start3A_157, %dma_start3A_164] : memref<2x16384xi32, #tpu.memory_space<vmem>> -> memref<1x16384xi32, #tpu.memory_space<vmem>>
        %dma_start3A_166 = tpu.memref_squeeze %dma_start3A_165 : memref<1x16384xi32, #tpu.memory_space<vmem>> -> memref<16384xi32, #tpu.memory_space<vmem>>
        %dma_start3A_167 = arith.constant 0 : i32
        %dma_start3A_168 = tpu.memref_slice %arg8[%dma_start3A, %dma_start3A_167] : memref<2x16384xi32, #tpu.memory_space<vmem_shared>> -> memref<1x16384xi32, #tpu.memory_space<vmem_shared>>
        %dma_start3A_169 = tpu.memref_squeeze %dma_start3A_168 : memref<1x16384xi32, #tpu.memory_space<vmem_shared>> -> memref<16384xi32, #tpu.memory_space<vmem_shared>>
        tpu.enqueue_dma source(%dma_start3A_169 : memref<16384xi32, #tpu.memory_space<vmem_shared>>) target(%dma_start3A_166 : memref<16384xi32, #tpu.memory_space<vmem>>) target_semaphore(%arg11 : memref<!tpu.dma_semaphore, #tpu.memory_space<semaphore_mem>>)
      } else {
      }
      %ge3A_109 = arith.constant 0 : i32
      %ge3A_110 = arith.cmpi sge, %sub3A_84, %ge3A_109 : i32
      %lt3A_111 = arith.constant 64 : i32
      %lt3A_112 = arith.cmpi slt, %sub3A_84, %lt3A_111 : i32
      %and3A_113 = arith.andi %ge3A_110, %lt3A_112 : i1
      %convert_element_type3A_114 = arith.extui %and3A_113 : i1 to i32
      %cond3A_115 = arith.constant 0 : i32
      %cond3A_116 = arith.cmpi ne, %convert_element_type3A_114, %cond3A_115 : i32
      scf.if %cond3A_116 {
        %ge3A_157 = arith.constant 2 : i32
        %ge3A_158 = arith.cmpi sge, %sub3A_84, %ge3A_157 : i32
        %convert_element_type3A_159 = arith.extui %ge3A_158 : i1 to i32
        %cond3A_160 = arith.constant 0 : i32
        %cond3A_161 = arith.cmpi ne, %convert_element_type3A_159, %cond3A_160 : i32
        scf.if %cond3A_161 {
          %sub3A_182 = arith.constant 2 : i32
          %sub3A_183 = arith.subi %sub3A_84, %sub3A_182 : i32
          %mul3A_184 = arith.constant 128 : i32
          %mul3A_185 = arith.muli %sub3A_183, %mul3A_184 : i32
          %dma_wait3A_186 = arith.constant 1 : i32
          %dma_wait3A_187 = arith.constant 0 : i32
          %dma_wait3A_188 = arith.constant 0 : i32
          %dma_wait3A_189 = arith.constant 0 : i32
          %dma_wait3A_190 = tpu.memref_slice %arg7[%dma_wait3A_186, %dma_wait3A_187, %dma_wait3A_188, %dma_wait3A_189] : memref<2x128x2x128xf32, #tpu.memory_space<vmem>> -> memref<1x128x2x128xf32, #tpu.memory_space<vmem>>
          %dma_wait3A_191 = tpu.memref_squeeze %dma_wait3A_190 : memref<1x128x2x128xf32, #tpu.memory_space<vmem>> -> memref<128x2x128xf32, #tpu.memory_space<vmem>>
          %dma_wait3A_192 = arith.constant 0 : i32
          %dma_wait3A_193 = tpu.memref_slice %arg4[%select_n3A, %mul3A_185, %select_n3A_32, %dma_wait3A_192] : memref<8x8192x8x128xf32, #tpu.memory_space<hbm>> -> memref<1x128x2x128xf32, #tpu.memory_space<hbm>>
          %dma_wait3A_194 = tpu.memref_squeeze %dma_wait3A_193 : memref<1x128x2x128xf32, #tpu.memory_space<hbm>> -> memref<128x2x128xf32, #tpu.memory_space<hbm>>
          %dma_wait3A_195 = arith.constant 0 : i32
          %dma_wait3A_196 = tpu.memref_slice %arg4[%select_n3A, %mul3A_185, %select_n3A_32, %dma_wait3A_195] : memref<8x8192x8x128xf32, #tpu.memory_space<hbm>> -> memref<1x128x2x128xf32, #tpu.memory_space<hbm>>
          %dma_wait3A_197 = tpu.memref_squeeze %dma_wait3A_196 : memref<1x128x2x128xf32, #tpu.memory_space<hbm>> -> memref<128x2x128xf32, #tpu.memory_space<hbm>>
          %dma_wait3A_198 = arith.constant 0 : i32
          %dma_wait3A_199 = arith.constant 0 : i32
          %dma_wait3A_200 = arith.constant 0 : i32
          %dma_wait3A_201 = tpu.memref_slice %arg7[%dma_wait3A_186, %dma_wait3A_198, %dma_wait3A_199, %dma_wait3A_200] : memref<2x128x2x128xf32, #tpu.memory_space<vmem>> -> memref<1x128x2x128xf32, #tpu.memory_space<vmem>>
          %dma_wait3A_202 = tpu.memref_squeeze %dma_wait3A_201 : memref<1x128x2x128xf32, #tpu.memory_space<vmem>> -> memref<128x2x128xf32, #tpu.memory_space<vmem>>
          tpu.wait_dma2 semaphore(%arg14 : memref<!tpu.dma_semaphore, #tpu.memory_space<semaphore_mem>>) src(%dma_wait3A_202 : memref<128x2x128xf32, #tpu.memory_space<vmem>>) dst(%dma_wait3A_197 : memref<128x2x128xf32, #tpu.memory_space<hbm>>)
        } else {
        }
        %parallel_loop3A = arith.constant 0 : i32
        %parallel_loop3A_162 = arith.constant 128 : i32
        %parallel_loop3A_163 = arith.constant 1 : i32
        scf.for %parallel_loop3A_182 = %parallel_loop3A to %parallel_loop3A_162 step %parallel_loop3A_163  : i32 {
          %parallel_loop3A_183 = arith.constant 128 : i32
          %parallel_loop3A_184 = arith.muli %parallel_loop3A_182, %parallel_loop3A_183 : i32
          %parallel_loop3A_185 = arith.constant 0 : i32
          %parallel_loop3A_186 = arith.addi %parallel_loop3A_184, %parallel_loop3A_185 : i32
          %parallel_loop3A_187 = arith.constant 1 : i32
          %parallel_loop3A_188 = arith.index_cast %parallel_loop3A_187 : i32 to index
          %parallel_loop3A_189 = arith.index_cast %parallel_loop3A_186 : i32 to index
          %parallel_loop3A_190 = tpu.vector_load %arg6[%parallel_loop3A_188, %parallel_loop3A_189] {strides = array<i32>} : memref<2x16384xi32, #tpu.memory_space<vmem>>, vector<16xi32>,
          %parallel_loop3A_191 = arith.constant 0 : i32
          %parallel_loop3A_192 = arith.constant 0 : i32
          %parallel_loop3A_193 = tpu.memref_slice %arg5[%parallel_loop3A_191, %parallel_loop3A_192] : memref<2x8192xf32, #tpu.memory_space<vmem>> -> memref<1x8192xf32, #tpu.memory_space<vmem>>
          %parallel_loop3A_194 = tpu.memref_squeeze %parallel_loop3A_193 : memref<1x8192xf32, #tpu.memory_space<vmem>> -> memref<8192xf32, #tpu.memory_space<vmem>>
          %parallel_loop3A_195 = tpu.vector_load_idx %parallel_loop3A_194[%parallel_loop3A_190] : memref<8192xf32, #tpu.memory_space<vmem>>[vector<16xi32>], vector<16xf32>,
          %parallel_loop3A_196 = arith.constant 1 : i32
          %parallel_loop3A_197 = arith.constant 0 : i32
          %parallel_loop3A_198 = arith.index_cast %parallel_loop3A_196 : i32 to index
          %parallel_loop3A_199 = arith.index_cast %parallel_loop3A_182 : i32 to index
          %parallel_loop3A_200 = arith.index_cast %parallel_loop3A_197 : i32 to index
          %parallel_loop3A_201 = arith.constant 0 : index
          %parallel_loop3A_202 = tpu.vector_load %arg7[%parallel_loop3A_198, %parallel_loop3A_199, %parallel_loop3A_200, %parallel_loop3A_201] {strides = array<i32>} : memref<2x128x2x128xf32, #tpu.memory_space<vmem>>, vector<16xf32>,
          tpu.vector_store %arg7[%parallel_loop3A_198, %parallel_loop3A_199, %parallel_loop3A_200, %parallel_loop3A_201], %parallel_loop3A_195 {strides = array<i32>} : memref<2x128x2x128xf32, #tpu.memory_space<vmem>>, vector<16xf32>,
          %parallel_loop3A_203 = arith.constant 1 : i32
          %parallel_loop3A_204 = arith.constant 0 : i32
          %parallel_loop3A_205 = tpu.memref_slice %arg5[%parallel_loop3A_203, %parallel_loop3A_204] : memref<2x8192xf32, #tpu.memory_space<vmem>> -> memref<1x8192xf32, #tpu.memory_space<vmem>>
          %parallel_loop3A_206 = tpu.memref_squeeze %parallel_loop3A_205 : memref<1x8192xf32, #tpu.memory_space<vmem>> -> memref<8192xf32, #tpu.memory_space<vmem>>
          %parallel_loop3A_207 = tpu.vector_load_idx %parallel_loop3A_206[%parallel_loop3A_190] : memref<8192xf32, #tpu.memory_space<vmem>>[vector<16xi32>], vector<16xf32>,
          %parallel_loop3A_208 = arith.constant 1 : i32
          %parallel_loop3A_209 = arith.constant 1 : i32
          %parallel_loop3A_210 = arith.index_cast %parallel_loop3A_208 : i32 to index
          %parallel_loop3A_211 = arith.index_cast %parallel_loop3A_182 : i32 to index
          %parallel_loop3A_212 = arith.index_cast %parallel_loop3A_209 : i32 to index
          %parallel_loop3A_213 = arith.constant 0 : index
          %parallel_loop3A_214 = tpu.vector_load %arg7[%parallel_loop3A_210, %parallel_loop3A_211, %parallel_loop3A_212, %parallel_loop3A_213] {strides = array<i32>} : memref<2x128x2x128xf32, #tpu.memory_space<vmem>>, vector<16xf32>,
          tpu.vector_store %arg7[%parallel_loop3A_210, %parallel_loop3A_211, %parallel_loop3A_212, %parallel_loop3A_213], %parallel_loop3A_207 {strides = array<i32>} : memref<2x128x2x128xf32, #tpu.memory_space<vmem>>, vector<16xf32>,
          %parallel_loop3A_215 = arith.constant 128 : i32
          %parallel_loop3A_216 = arith.muli %parallel_loop3A_182, %parallel_loop3A_215 : i32
          %parallel_loop3A_217 = arith.constant 16 : i32
          %parallel_loop3A_218 = arith.addi %parallel_loop3A_216, %parallel_loop3A_217 : i32
          %parallel_loop3A_219 = arith.constant 1 : i32
          %parallel_loop3A_220 = arith.index_cast %parallel_loop3A_219 : i32 to index
          %parallel_loop3A_221 = arith.index_cast %parallel_loop3A_218 : i32 to index
          %parallel_loop3A_222 = tpu.vector_load %arg6[%parallel_loop3A_220, %parallel_loop3A_221] {strides = array<i32>} : memref<2x16384xi32, #tpu.memory_space<vmem>>, vector<16xi32>,
          %parallel_loop3A_223 = arith.constant 0 : i32
          %parallel_loop3A_224 = arith.constant 0 : i32
          %parallel_loop3A_225 = tpu.memref_slice %arg5[%parallel_loop3A_223, %parallel_loop3A_224] : memref<2x8192xf32, #tpu.memory_space<vmem>> -> memref<1x8192xf32, #tpu.memory_space<vmem>>
          %parallel_loop3A_226 = tpu.memref_squeeze %parallel_loop3A_225 : memref<1x8192xf32, #tpu.memory_space<vmem>> -> memref<8192xf32, #tpu.memory_space<vmem>>
          %parallel_loop3A_227 = tpu.vector_load_idx %parallel_loop3A_226[%parallel_loop3A_222] : memref<8192xf32, #tpu.memory_space<vmem>>[vector<16xi32>], vector<16xf32>,
          %parallel_loop3A_228 = arith.constant 1 : i32
          %parallel_loop3A_229 = arith.constant 0 : i32
          %parallel_loop3A_230 = arith.index_cast %parallel_loop3A_228 : i32 to index
          %parallel_loop3A_231 = arith.index_cast %parallel_loop3A_182 : i32 to index
          %parallel_loop3A_232 = arith.index_cast %parallel_loop3A_229 : i32 to index
          %parallel_loop3A_233 = arith.constant 16 : index
          %parallel_loop3A_234 = tpu.vector_load %arg7[%parallel_loop3A_230, %parallel_loop3A_231, %parallel_loop3A_232, %parallel_loop3A_233] {strides = array<i32>} : memref<2x128x2x128xf32, #tpu.memory_space<vmem>>, vector<16xf32>,
          tpu.vector_store %arg7[%parallel_loop3A_230, %parallel_loop3A_231, %parallel_loop3A_232, %parallel_loop3A_233], %parallel_loop3A_227 {strides = array<i32>} : memref<2x128x2x128xf32, #tpu.memory_space<vmem>>, vector<16xf32>,
          %parallel_loop3A_235 = arith.constant 1 : i32
          %parallel_loop3A_236 = arith.constant 0 : i32
          %parallel_loop3A_237 = tpu.memref_slice %arg5[%parallel_loop3A_235, %parallel_loop3A_236] : memref<2x8192xf32, #tpu.memory_space<vmem>> -> memref<1x8192xf32, #tpu.memory_space<vmem>>
          %parallel_loop3A_238 = tpu.memref_squeeze %parallel_loop3A_237 : memref<1x8192xf32, #tpu.memory_space<vmem>> -> memref<8192xf32, #tpu.memory_space<vmem>>
          %parallel_loop3A_239 = tpu.vector_load_idx %parallel_loop3A_238[%parallel_loop3A_222] : memref<8192xf32, #tpu.memory_space<vmem>>[vector<16xi32>], vector<16xf32>,
          %parallel_loop3A_240 = arith.constant 1 : i32
          %parallel_loop3A_241 = arith.constant 1 : i32
          %parallel_loop3A_242 = arith.index_cast %parallel_loop3A_240 : i32 to index
          %parallel_loop3A_243 = arith.index_cast %parallel_loop3A_182 : i32 to index
          %parallel_loop3A_244 = arith.index_cast %parallel_loop3A_241 : i32 to index
          %parallel_loop3A_245 = arith.constant 16 : index
          %parallel_loop3A_246 = tpu.vector_load %arg7[%parallel_loop3A_242, %parallel_loop3A_243, %parallel_loop3A_244, %parallel_loop3A_245] {strides = array<i32>} : memref<2x128x2x128xf32, #tpu.memory_space<vmem>>, vector<16xf32>,
          tpu.vector_store %arg7[%parallel_loop3A_242, %parallel_loop3A_243, %parallel_loop3A_244, %parallel_loop3A_245], %parallel_loop3A_239 {strides = array<i32>} : memref<2x128x2x128xf32, #tpu.memory_space<vmem>>, vector<16xf32>,
          %parallel_loop3A_247 = arith.constant 128 : i32
          %parallel_loop3A_248 = arith.muli %parallel_loop3A_182, %parallel_loop3A_247 : i32
          %parallel_loop3A_249 = arith.constant 32 : i32
          %parallel_loop3A_250 = arith.addi %parallel_loop3A_248, %parallel_loop3A_249 : i32
          %parallel_loop3A_251 = arith.constant 1 : i32
          %parallel_loop3A_252 = arith.index_cast %parallel_loop3A_251 : i32 to index
          %parallel_loop3A_253 = arith.index_cast %parallel_loop3A_250 : i32 to index
          %parallel_loop3A_254 = tpu.vector_load %arg6[%parallel_loop3A_252, %parallel_loop3A_253] {strides = array<i32>} : memref<2x16384xi32, #tpu.memory_space<vmem>>, vector<16xi32>,
          %parallel_loop3A_255 = arith.constant 0 : i32
          %parallel_loop3A_256 = arith.constant 0 : i32
          %parallel_loop3A_257 = tpu.memref_slice %arg5[%parallel_loop3A_255, %parallel_loop3A_256] : memref<2x8192xf32, #tpu.memory_space<vmem>> -> memref<1x8192xf32, #tpu.memory_space<vmem>>
          %parallel_loop3A_258 = tpu.memref_squeeze %parallel_loop3A_257 : memref<1x8192xf32, #tpu.memory_space<vmem>> -> memref<8192xf32, #tpu.memory_space<vmem>>
          %parallel_loop3A_259 = tpu.vector_load_idx %parallel_loop3A_258[%parallel_loop3A_254] : memref<8192xf32, #tpu.memory_space<vmem>>[vector<16xi32>], vector<16xf32>,
          %parallel_loop3A_260 = arith.constant 1 : i32
          %parallel_loop3A_261 = arith.constant 0 : i32
          %parallel_loop3A_262 = arith.index_cast %parallel_loop3A_260 : i32 to index
          %parallel_loop3A_263 = arith.index_cast %parallel_loop3A_182 : i32 to index
          %parallel_loop3A_264 = arith.index_cast %parallel_loop3A_261 : i32 to index
          %parallel_loop3A_265 = arith.constant 32 : index
          %parallel_loop3A_266 = tpu.vector_load %arg7[%parallel_loop3A_262, %parallel_loop3A_263, %parallel_loop3A_264, %parallel_loop3A_265] {strides = array<i32>} : memref<2x128x2x128xf32, #tpu.memory_space<vmem>>, vector<16xf32>,
          tpu.vector_store %arg7[%parallel_loop3A_262, %parallel_loop3A_263, %parallel_loop3A_264, %parallel_loop3A_265], %parallel_loop3A_259 {strides = array<i32>} : memref<2x128x2x128xf32, #tpu.memory_space<vmem>>, vector<16xf32>,
          %parallel_loop3A_267 = arith.constant 1 : i32
          %parallel_loop3A_268 = arith.constant 0 : i32
          %parallel_loop3A_269 = tpu.memref_slice %arg5[%parallel_loop3A_267, %parallel_loop3A_268] : memref<2x8192xf32, #tpu.memory_space<vmem>> -> memref<1x8192xf32, #tpu.memory_space<vmem>>
          %parallel_loop3A_270 = tpu.memref_squeeze %parallel_loop3A_269 : memref<1x8192xf32, #tpu.memory_space<vmem>> -> memref<8192xf32, #tpu.memory_space<vmem>>
          %parallel_loop3A_271 = tpu.vector_load_idx %parallel_loop3A_270[%parallel_loop3A_254] : memref<8192xf32, #tpu.memory_space<vmem>>[vector<16xi32>], vector<16xf32>,
          %parallel_loop3A_272 = arith.constant 1 : i32
          %parallel_loop3A_273 = arith.constant 1 : i32
          %parallel_loop3A_274 = arith.index_cast %parallel_loop3A_272 : i32 to index
          %parallel_loop3A_275 = arith.index_cast %parallel_loop3A_182 : i32 to index
          %parallel_loop3A_276 = arith.index_cast %parallel_loop3A_273 : i32 to index
          %parallel_loop3A_277 = arith.constant 32 : index
          %parallel_loop3A_278 = tpu.vector_load %arg7[%parallel_loop3A_274, %parallel_loop3A_275, %parallel_loop3A_276, %parallel_loop3A_277] {strides = array<i32>} : memref<2x128x2x128xf32, #tpu.memory_space<vmem>>, vector<16xf32>,
          tpu.vector_store %arg7[%parallel_loop3A_274, %parallel_loop3A_275, %parallel_loop3A_276, %parallel_loop3A_277], %parallel_loop3A_271 {strides = array<i32>} : memref<2x128x2x128xf32, #tpu.memory_space<vmem>>, vector<16xf32>,
          %parallel_loop3A_279 = arith.constant 128 : i32
          %parallel_loop3A_280 = arith.muli %parallel_loop3A_182, %parallel_loop3A_279 : i32
          %parallel_loop3A_281 = arith.constant 48 : i32
          %parallel_loop3A_282 = arith.addi %parallel_loop3A_280, %parallel_loop3A_281 : i32
          %parallel_loop3A_283 = arith.constant 1 : i32
          %parallel_loop3A_284 = arith.index_cast %parallel_loop3A_283 : i32 to index
          %parallel_loop3A_285 = arith.index_cast %parallel_loop3A_282 : i32 to index
          %parallel_loop3A_286 = tpu.vector_load %arg6[%parallel_loop3A_284, %parallel_loop3A_285] {strides = array<i32>} : memref<2x16384xi32, #tpu.memory_space<vmem>>, vector<16xi32>,
          %parallel_loop3A_287 = arith.constant 0 : i32
          %parallel_loop3A_288 = arith.constant 0 : i32
          %parallel_loop3A_289 = tpu.memref_slice %arg5[%parallel_loop3A_287, %parallel_loop3A_288] : memref<2x8192xf32, #tpu.memory_space<vmem>> -> memref<1x8192xf32, #tpu.memory_space<vmem>>
          %parallel_loop3A_290 = tpu.memref_squeeze %parallel_loop3A_289 : memref<1x8192xf32, #tpu.memory_space<vmem>> -> memref<8192xf32, #tpu.memory_space<vmem>>
          %parallel_loop3A_291 = tpu.vector_load_idx %parallel_loop3A_290[%parallel_loop3A_286] : memref<8192xf32, #tpu.memory_space<vmem>>[vector<16xi32>], vector<16xf32>,
          %parallel_loop3A_292 = arith.constant 1 : i32
          %parallel_loop3A_293 = arith.constant 0 : i32
          %parallel_loop3A_294 = arith.index_cast %parallel_loop3A_292 : i32 to index
          %parallel_loop3A_295 = arith.index_cast %parallel_loop3A_182 : i32 to index
          %parallel_loop3A_296 = arith.index_cast %parallel_loop3A_293 : i32 to index
          %parallel_loop3A_297 = arith.constant 48 : index
          %parallel_loop3A_298 = tpu.vector_load %arg7[%parallel_loop3A_294, %parallel_loop3A_295, %parallel_loop3A_296, %parallel_loop3A_297] {strides = array<i32>} : memref<2x128x2x128xf32, #tpu.memory_space<vmem>>, vector<16xf32>,
          tpu.vector_store %arg7[%parallel_loop3A_294, %parallel_loop3A_295, %parallel_loop3A_296, %parallel_loop3A_297], %parallel_loop3A_291 {strides = array<i32>} : memref<2x128x2x128xf32, #tpu.memory_space<vmem>>, vector<16xf32>,
          %parallel_loop3A_299 = arith.constant 1 : i32
          %parallel_loop3A_300 = arith.constant 0 : i32
          %parallel_loop3A_301 = tpu.memref_slice %arg5[%parallel_loop3A_299, %parallel_loop3A_300] : memref<2x8192xf32, #tpu.memory_space<vmem>> -> memref<1x8192xf32, #tpu.memory_space<vmem>>
          %parallel_loop3A_302 = tpu.memref_squeeze %parallel_loop3A_301 : memref<1x8192xf32, #tpu.memory_space<vmem>> -> memref<8192xf32, #tpu.memory_space<vmem>>
          %parallel_loop3A_303 = tpu.vector_load_idx %parallel_loop3A_302[%parallel_loop3A_286] : memref<8192xf32, #tpu.memory_space<vmem>>[vector<16xi32>], vector<16xf32>,
          %parallel_loop3A_304 = arith.constant 1 : i32
          %parallel_loop3A_305 = arith.constant 1 : i32
          %parallel_loop3A_306 = arith.index_cast %parallel_loop3A_304 : i32 to index
          %parallel_loop3A_307 = arith.index_cast %parallel_loop3A_182 : i32 to index
          %parallel_loop3A_308 = arith.index_cast %parallel_loop3A_305 : i32 to index
          %parallel_loop3A_309 = arith.constant 48 : index
          %parallel_loop3A_310 = tpu.vector_load %arg7[%parallel_loop3A_306, %parallel_loop3A_307, %parallel_loop3A_308, %parallel_loop3A_309] {strides = array<i32>} : memref<2x128x2x128xf32, #tpu.memory_space<vmem>>, vector<16xf32>,
          tpu.vector_store %arg7[%parallel_loop3A_306, %parallel_loop3A_307, %parallel_loop3A_308, %parallel_loop3A_309], %parallel_loop3A_303 {strides = array<i32>} : memref<2x128x2x128xf32, #tpu.memory_space<vmem>>, vector<16xf32>,
          %parallel_loop3A_311 = arith.constant 128 : i32
          %parallel_loop3A_312 = arith.muli %parallel_loop3A_182, %parallel_loop3A_311 : i32
          %parallel_loop3A_313 = arith.constant 64 : i32
          %parallel_loop3A_314 = arith.addi %parallel_loop3A_312, %parallel_loop3A_313 : i32
          %parallel_loop3A_315 = arith.constant 1 : i32
          %parallel_loop3A_316 = arith.index_cast %parallel_loop3A_315 : i32 to index
          %parallel_loop3A_317 = arith.index_cast %parallel_loop3A_314 : i32 to index
          %parallel_loop3A_318 = tpu.vector_load %arg6[%parallel_loop3A_316, %parallel_loop3A_317] {strides = array<i32>} : memref<2x16384xi32, #tpu.memory_space<vmem>>, vector<16xi32>,
          %parallel_loop3A_319 = arith.constant 0 : i32
          %parallel_loop3A_320 = arith.constant 0 : i32
          %parallel_loop3A_321 = tpu.memref_slice %arg5[%parallel_loop3A_319, %parallel_loop3A_320] : memref<2x8192xf32, #tpu.memory_space<vmem>> -> memref<1x8192xf32, #tpu.memory_space<vmem>>
          %parallel_loop3A_322 = tpu.memref_squeeze %parallel_loop3A_321 : memref<1x8192xf32, #tpu.memory_space<vmem>> -> memref<8192xf32, #tpu.memory_space<vmem>>
          %parallel_loop3A_323 = tpu.vector_load_idx %parallel_loop3A_322[%parallel_loop3A_318] : memref<8192xf32, #tpu.memory_space<vmem>>[vector<16xi32>], vector<16xf32>,
          %parallel_loop3A_324 = arith.constant 1 : i32
          %parallel_loop3A_325 = arith.constant 0 : i32
          %parallel_loop3A_326 = arith.index_cast %parallel_loop3A_324 : i32 to index
          %parallel_loop3A_327 = arith.index_cast %parallel_loop3A_182 : i32 to index
          %parallel_loop3A_328 = arith.index_cast %parallel_loop3A_325 : i32 to index
          %parallel_loop3A_329 = arith.constant 64 : index
          %parallel_loop3A_330 = tpu.vector_load %arg7[%parallel_loop3A_326, %parallel_loop3A_327, %parallel_loop3A_328, %parallel_loop3A_329] {strides = array<i32>} : memref<2x128x2x128xf32, #tpu.memory_space<vmem>>, vector<16xf32>,
          tpu.vector_store %arg7[%parallel_loop3A_326, %parallel_loop3A_327, %parallel_loop3A_328, %parallel_loop3A_329], %parallel_loop3A_323 {strides = array<i32>} : memref<2x128x2x128xf32, #tpu.memory_space<vmem>>, vector<16xf32>,
          %parallel_loop3A_331 = arith.constant 1 : i32
          %parallel_loop3A_332 = arith.constant 0 : i32
          %parallel_loop3A_333 = tpu.memref_slice %arg5[%parallel_loop3A_331, %parallel_loop3A_332] : memref<2x8192xf32, #tpu.memory_space<vmem>> -> memref<1x8192xf32, #tpu.memory_space<vmem>>
          %parallel_loop3A_334 = tpu.memref_squeeze %parallel_loop3A_333 : memref<1x8192xf32, #tpu.memory_space<vmem>> -> memref<8192xf32, #tpu.memory_space<vmem>>
          %parallel_loop3A_335 = tpu.vector_load_idx %parallel_loop3A_334[%parallel_loop3A_318] : memref<8192xf32, #tpu.memory_space<vmem>>[vector<16xi32>], vector<16xf32>,
          %parallel_loop3A_336 = arith.constant 1 : i32
          %parallel_loop3A_337 = arith.constant 1 : i32
          %parallel_loop3A_338 = arith.index_cast %parallel_loop3A_336 : i32 to index
          %parallel_loop3A_339 = arith.index_cast %parallel_loop3A_182 : i32 to index
          %parallel_loop3A_340 = arith.index_cast %parallel_loop3A_337 : i32 to index
          %parallel_loop3A_341 = arith.constant 64 : index
          %parallel_loop3A_342 = tpu.vector_load %arg7[%parallel_loop3A_338, %parallel_loop3A_339, %parallel_loop3A_340, %parallel_loop3A_341] {strides = array<i32>} : memref<2x128x2x128xf32, #tpu.memory_space<vmem>>, vector<16xf32>,
          tpu.vector_store %arg7[%parallel_loop3A_338, %parallel_loop3A_339, %parallel_loop3A_340, %parallel_loop3A_341], %parallel_loop3A_335 {strides = array<i32>} : memref<2x128x2x128xf32, #tpu.memory_space<vmem>>, vector<16xf32>,
          %parallel_loop3A_343 = arith.constant 128 : i32
          %parallel_loop3A_344 = arith.muli %parallel_loop3A_182, %parallel_loop3A_343 : i32
          %parallel_loop3A_345 = arith.constant 80 : i32
          %parallel_loop3A_346 = arith.addi %parallel_loop3A_344, %parallel_loop3A_345 : i32
          %parallel_loop3A_347 = arith.constant 1 : i32
          %parallel_loop3A_348 = arith.index_cast %parallel_loop3A_347 : i32 to index
          %parallel_loop3A_349 = arith.index_cast %parallel_loop3A_346 : i32 to index
          %parallel_loop3A_350 = tpu.vector_load %arg6[%parallel_loop3A_348, %parallel_loop3A_349] {strides = array<i32>} : memref<2x16384xi32, #tpu.memory_space<vmem>>, vector<16xi32>,
          %parallel_loop3A_351 = arith.constant 0 : i32
          %parallel_loop3A_352 = arith.constant 0 : i32
          %parallel_loop3A_353 = tpu.memref_slice %arg5[%parallel_loop3A_351, %parallel_loop3A_352] : memref<2x8192xf32, #tpu.memory_space<vmem>> -> memref<1x8192xf32, #tpu.memory_space<vmem>>
          %parallel_loop3A_354 = tpu.memref_squeeze %parallel_loop3A_353 : memref<1x8192xf32, #tpu.memory_space<vmem>> -> memref<8192xf32, #tpu.memory_space<vmem>>
          %parallel_loop3A_355 = tpu.vector_load_idx %parallel_loop3A_354[%parallel_loop3A_350] : memref<8192xf32, #tpu.memory_space<vmem>>[vector<16xi32>], vector<16xf32>,
          %parallel_loop3A_356 = arith.constant 1 : i32
          %parallel_loop3A_357 = arith.constant 0 : i32
          %parallel_loop3A_358 = arith.index_cast %parallel_loop3A_356 : i32 to index
          %parallel_loop3A_359 = arith.index_cast %parallel_loop3A_182 : i32 to index
          %parallel_loop3A_360 = arith.index_cast %parallel_loop3A_357 : i32 to index
          %parallel_loop3A_361 = arith.constant 80 : index
          %parallel_loop3A_362 = tpu.vector_load %arg7[%parallel_loop3A_358, %parallel_loop3A_359, %parallel_loop3A_360, %parallel_loop3A_361] {strides = array<i32>} : memref<2x128x2x128xf32, #tpu.memory_space<vmem>>, vector<16xf32>,
          tpu.vector_store %arg7[%parallel_loop3A_358, %parallel_loop3A_359, %parallel_loop3A_360, %parallel_loop3A_361], %parallel_loop3A_355 {strides = array<i32>} : memref<2x128x2x128xf32, #tpu.memory_space<vmem>>, vector<16xf32>,
          %parallel_loop3A_363 = arith.constant 1 : i32
          %parallel_loop3A_364 = arith.constant 0 : i32
          %parallel_loop3A_365 = tpu.memref_slice %arg5[%parallel_loop3A_363, %parallel_loop3A_364] : memref<2x8192xf32, #tpu.memory_space<vmem>> -> memref<1x8192xf32, #tpu.memory_space<vmem>>
          %parallel_loop3A_366 = tpu.memref_squeeze %parallel_loop3A_365 : memref<1x8192xf32, #tpu.memory_space<vmem>> -> memref<8192xf32, #tpu.memory_space<vmem>>
          %parallel_loop3A_367 = tpu.vector_load_idx %parallel_loop3A_366[%parallel_loop3A_350] : memref<8192xf32, #tpu.memory_space<vmem>>[vector<16xi32>], vector<16xf32>,
          %parallel_loop3A_368 = arith.constant 1 : i32
          %parallel_loop3A_369 = arith.constant 1 : i32
          %parallel_loop3A_370 = arith.index_cast %parallel_loop3A_368 : i32 to index
          %parallel_loop3A_371 = arith.index_cast %parallel_loop3A_182 : i32 to index
          %parallel_loop3A_372 = arith.index_cast %parallel_loop3A_369 : i32 to index
          %parallel_loop3A_373 = arith.constant 80 : index
          %parallel_loop3A_374 = tpu.vector_load %arg7[%parallel_loop3A_370, %parallel_loop3A_371, %parallel_loop3A_372, %parallel_loop3A_373] {strides = array<i32>} : memref<2x128x2x128xf32, #tpu.memory_space<vmem>>, vector<16xf32>,
          tpu.vector_store %arg7[%parallel_loop3A_370, %parallel_loop3A_371, %parallel_loop3A_372, %parallel_loop3A_373], %parallel_loop3A_367 {strides = array<i32>} : memref<2x128x2x128xf32, #tpu.memory_space<vmem>>, vector<16xf32>,
          %parallel_loop3A_375 = arith.constant 128 : i32
          %parallel_loop3A_376 = arith.muli %parallel_loop3A_182, %parallel_loop3A_375 : i32
          %parallel_loop3A_377 = arith.constant 96 : i32
          %parallel_loop3A_378 = arith.addi %parallel_loop3A_376, %parallel_loop3A_377 : i32
          %parallel_loop3A_379 = arith.constant 1 : i32
          %parallel_loop3A_380 = arith.index_cast %parallel_loop3A_379 : i32 to index
          %parallel_loop3A_381 = arith.index_cast %parallel_loop3A_378 : i32 to index
          %parallel_loop3A_382 = tpu.vector_load %arg6[%parallel_loop3A_380, %parallel_loop3A_381] {strides = array<i32>} : memref<2x16384xi32, #tpu.memory_space<vmem>>, vector<16xi32>,
          %parallel_loop3A_383 = arith.constant 0 : i32
          %parallel_loop3A_384 = arith.constant 0 : i32
          %parallel_loop3A_385 = tpu.memref_slice %arg5[%parallel_loop3A_383, %parallel_loop3A_384] : memref<2x8192xf32, #tpu.memory_space<vmem>> -> memref<1x8192xf32, #tpu.memory_space<vmem>>
          %parallel_loop3A_386 = tpu.memref_squeeze %parallel_loop3A_385 : memref<1x8192xf32, #tpu.memory_space<vmem>> -> memref<8192xf32, #tpu.memory_space<vmem>>
          %parallel_loop3A_387 = tpu.vector_load_idx %parallel_loop3A_386[%parallel_loop3A_382] : memref<8192xf32, #tpu.memory_space<vmem>>[vector<16xi32>], vector<16xf32>,
          %parallel_loop3A_388 = arith.constant 1 : i32
          %parallel_loop3A_389 = arith.constant 0 : i32
          %parallel_loop3A_390 = arith.index_cast %parallel_loop3A_388 : i32 to index
          %parallel_loop3A_391 = arith.index_cast %parallel_loop3A_182 : i32 to index
          %parallel_loop3A_392 = arith.index_cast %parallel_loop3A_389 : i32 to index
          %parallel_loop3A_393 = arith.constant 96 : index
          %parallel_loop3A_394 = tpu.vector_load %arg7[%parallel_loop3A_390, %parallel_loop3A_391, %parallel_loop3A_392, %parallel_loop3A_393] {strides = array<i32>} : memref<2x128x2x128xf32, #tpu.memory_space<vmem>>, vector<16xf32>,
          tpu.vector_store %arg7[%parallel_loop3A_390, %parallel_loop3A_391, %parallel_loop3A_392, %parallel_loop3A_393], %parallel_loop3A_387 {strides = array<i32>} : memref<2x128x2x128xf32, #tpu.memory_space<vmem>>, vector<16xf32>,
          %parallel_loop3A_395 = arith.constant 1 : i32
          %parallel_loop3A_396 = arith.constant 0 : i32
          %parallel_loop3A_397 = tpu.memref_slice %arg5[%parallel_loop3A_395, %parallel_loop3A_396] : memref<2x8192xf32, #tpu.memory_space<vmem>> -> memref<1x8192xf32, #tpu.memory_space<vmem>>
          %parallel_loop3A_398 = tpu.memref_squeeze %parallel_loop3A_397 : memref<1x8192xf32, #tpu.memory_space<vmem>> -> memref<8192xf32, #tpu.memory_space<vmem>>
          %parallel_loop3A_399 = tpu.vector_load_idx %parallel_loop3A_398[%parallel_loop3A_382] : memref<8192xf32, #tpu.memory_space<vmem>>[vector<16xi32>], vector<16xf32>,
          %parallel_loop3A_400 = arith.constant 1 : i32
          %parallel_loop3A_401 = arith.constant 1 : i32
          %parallel_loop3A_402 = arith.index_cast %parallel_loop3A_400 : i32 to index
          %parallel_loop3A_403 = arith.index_cast %parallel_loop3A_182 : i32 to index
          %parallel_loop3A_404 = arith.index_cast %parallel_loop3A_401 : i32 to index
          %parallel_loop3A_405 = arith.constant 96 : index
          %parallel_loop3A_406 = tpu.vector_load %arg7[%parallel_loop3A_402, %parallel_loop3A_403, %parallel_loop3A_404, %parallel_loop3A_405] {strides = array<i32>} : memref<2x128x2x128xf32, #tpu.memory_space<vmem>>, vector<16xf32>,
          tpu.vector_store %arg7[%parallel_loop3A_402, %parallel_loop3A_403, %parallel_loop3A_404, %parallel_loop3A_405], %parallel_loop3A_399 {strides = array<i32>} : memref<2x128x2x128xf32, #tpu.memory_space<vmem>>, vector<16xf32>,
          %parallel_loop3A_407 = arith.constant 128 : i32
          %parallel_loop3A_408 = arith.muli %parallel_loop3A_182, %parallel_loop3A_407 : i32
          %parallel_loop3A_409 = arith.constant 112 : i32
          %parallel_loop3A_410 = arith.addi %parallel_loop3A_408, %parallel_loop3A_409 : i32
          %parallel_loop3A_411 = arith.constant 1 : i32
          %parallel_loop3A_412 = arith.index_cast %parallel_loop3A_411 : i32 to index
          %parallel_loop3A_413 = arith.index_cast %parallel_loop3A_410 : i32 to index
          %parallel_loop3A_414 = tpu.vector_load %arg6[%parallel_loop3A_412, %parallel_loop3A_413] {strides = array<i32>} : memref<2x16384xi32, #tpu.memory_space<vmem>>, vector<16xi32>,
          %parallel_loop3A_415 = arith.constant 0 : i32
          %parallel_loop3A_416 = arith.constant 0 : i32
          %parallel_loop3A_417 = tpu.memref_slice %arg5[%parallel_loop3A_415, %parallel_loop3A_416] : memref<2x8192xf32, #tpu.memory_space<vmem>> -> memref<1x8192xf32, #tpu.memory_space<vmem>>
          %parallel_loop3A_418 = tpu.memref_squeeze %parallel_loop3A_417 : memref<1x8192xf32, #tpu.memory_space<vmem>> -> memref<8192xf32, #tpu.memory_space<vmem>>
          %parallel_loop3A_419 = tpu.vector_load_idx %parallel_loop3A_418[%parallel_loop3A_414] : memref<8192xf32, #tpu.memory_space<vmem>>[vector<16xi32>], vector<16xf32>,
          %parallel_loop3A_420 = arith.constant 1 : i32
          %parallel_loop3A_421 = arith.constant 0 : i32
          %parallel_loop3A_422 = arith.index_cast %parallel_loop3A_420 : i32 to index
          %parallel_loop3A_423 = arith.index_cast %parallel_loop3A_182 : i32 to index
          %parallel_loop3A_424 = arith.index_cast %parallel_loop3A_421 : i32 to index
          %parallel_loop3A_425 = arith.constant 112 : index
          %parallel_loop3A_426 = tpu.vector_load %arg7[%parallel_loop3A_422, %parallel_loop3A_423, %parallel_loop3A_424, %parallel_loop3A_425] {strides = array<i32>} : memref<2x128x2x128xf32, #tpu.memory_space<vmem>>, vector<16xf32>,
          tpu.vector_store %arg7[%parallel_loop3A_422, %parallel_loop3A_423, %parallel_loop3A_424, %parallel_loop3A_425], %parallel_loop3A_419 {strides = array<i32>} : memref<2x128x2x128xf32, #tpu.memory_space<vmem>>, vector<16xf32>,
          %parallel_loop3A_427 = arith.constant 1 : i32
          %parallel_loop3A_428 = arith.constant 0 : i32
          %parallel_loop3A_429 = tpu.memref_slice %arg5[%parallel_loop3A_427, %parallel_loop3A_428] : memref<2x8192xf32, #tpu.memory_space<vmem>> -> memref<1x8192xf32, #tpu.memory_space<vmem>>
          %parallel_loop3A_430 = tpu.memref_squeeze %parallel_loop3A_429 : memref<1x8192xf32, #tpu.memory_space<vmem>> -> memref<8192xf32, #tpu.memory_space<vmem>>
          %parallel_loop3A_431 = tpu.vector_load_idx %parallel_loop3A_430[%parallel_loop3A_414] : memref<8192xf32, #tpu.memory_space<vmem>>[vector<16xi32>], vector<16xf32>,
          %parallel_loop3A_432 = arith.constant 1 : i32
          %parallel_loop3A_433 = arith.constant 1 : i32
          %parallel_loop3A_434 = arith.index_cast %parallel_loop3A_432 : i32 to index
          %parallel_loop3A_435 = arith.index_cast %parallel_loop3A_182 : i32 to index
          %parallel_loop3A_436 = arith.index_cast %parallel_loop3A_433 : i32 to index
          %parallel_loop3A_437 = arith.constant 112 : index
          %parallel_loop3A_438 = tpu.vector_load %arg7[%parallel_loop3A_434, %parallel_loop3A_435, %parallel_loop3A_436, %parallel_loop3A_437] {strides = array<i32>} : memref<2x128x2x128xf32, #tpu.memory_space<vmem>>, vector<16xf32>,
          tpu.vector_store %arg7[%parallel_loop3A_434, %parallel_loop3A_435, %parallel_loop3A_436, %parallel_loop3A_437], %parallel_loop3A_431 {strides = array<i32>} : memref<2x128x2x128xf32, #tpu.memory_space<vmem>>, vector<16xf32>,
        } {sc.loop_unroll_factor = 8 : i64, sc.parallel_access}
        %mul3A_164 = arith.constant 128 : i32
        %mul3A_165 = arith.muli %sub3A_84, %mul3A_164 : i32
        %dma_start3A = arith.constant 1 : i32
        %dma_start3A_166 = arith.constant 0 : i32
        %dma_start3A_167 = arith.constant 0 : i32
        %dma_start3A_168 = arith.constant 0 : i32
        %dma_start3A_169 = tpu.memref_slice %arg7[%dma_start3A, %dma_start3A_166, %dma_start3A_167, %dma_start3A_168] : memref<2x128x2x128xf32, #tpu.memory_space<vmem>> -> memref<1x128x2x128xf32, #tpu.memory_space<vmem>>
        %dma_start3A_170 = tpu.memref_squeeze %dma_start3A_169 : memref<1x128x2x128xf32, #tpu.memory_space<vmem>> -> memref<128x2x128xf32, #tpu.memory_space<vmem>>
        %dma_start3A_171 = arith.constant 0 : i32
        %dma_start3A_172 = tpu.memref_slice %arg4[%select_n3A, %mul3A_165, %select_n3A_32, %dma_start3A_171] : memref<8x8192x8x128xf32, #tpu.memory_space<hbm>> -> memref<1x128x2x128xf32, #tpu.memory_space<hbm>>
        %dma_start3A_173 = tpu.memref_squeeze %dma_start3A_172 : memref<1x128x2x128xf32, #tpu.memory_space<hbm>> -> memref<128x2x128xf32, #tpu.memory_space<hbm>>
        %dma_start3A_174 = arith.constant 0 : i32
        %dma_start3A_175 = tpu.memref_slice %arg4[%select_n3A, %mul3A_165, %select_n3A_32, %dma_start3A_174] : memref<8x8192x8x128xf32, #tpu.memory_space<hbm>> -> memref<1x128x2x128xf32, #tpu.memory_space<hbm>>
        %dma_start3A_176 = tpu.memref_squeeze %dma_start3A_175 : memref<1x128x2x128xf32, #tpu.memory_space<hbm>> -> memref<128x2x128xf32, #tpu.memory_space<hbm>>
        %dma_start3A_177 = arith.constant 0 : i32
        %dma_start3A_178 = arith.constant 0 : i32
        %dma_start3A_179 = arith.constant 0 : i32
        %dma_start3A_180 = tpu.memref_slice %arg7[%dma_start3A, %dma_start3A_177, %dma_start3A_178, %dma_start3A_179] : memref<2x128x2x128xf32, #tpu.memory_space<vmem>> -> memref<1x128x2x128xf32, #tpu.memory_space<vmem>>
        %dma_start3A_181 = tpu.memref_squeeze %dma_start3A_180 : memref<1x128x2x128xf32, #tpu.memory_space<vmem>> -> memref<128x2x128xf32, #tpu.memory_space<vmem>>
        tpu.enqueue_dma source(%dma_start3A_181 : memref<128x2x128xf32, #tpu.memory_space<vmem>>) target(%dma_start3A_176 : memref<128x2x128xf32, #tpu.memory_space<hbm>>) target_semaphore(%arg14 : memref<!tpu.dma_semaphore, #tpu.memory_space<semaphore_mem>>)
      } else {
      }
      %mul3A_117 = arith.constant 2 : i32
      %mul3A_118 = arith.muli %scan3A_78, %mul3A_117 : i32
      %add3A_119 = arith.constant 1 : i32
      %add3A_120 = arith.addi %mul3A_118, %add3A_119 : i32
      %sub3A_121 = arith.constant 1 : i32
      %sub3A_122 = arith.subi %add3A_120, %sub3A_121 : i32
      %ge3A_123 = arith.constant 0 : i32
      %ge3A_124 = arith.cmpi sge, %sub3A_122, %ge3A_123 : i32
      %lt3A_125 = arith.constant 64 : i32
      %lt3A_126 = arith.cmpi slt, %sub3A_122, %lt3A_125 : i32
      %and3A_127 = arith.andi %ge3A_124, %lt3A_126 : i1
      %convert_element_type3A_128 = arith.extui %and3A_127 : i1 to i32
      %cond3A_129 = arith.constant 0 : i32
      %cond3A_130 = arith.cmpi ne, %convert_element_type3A_128, %cond3A_129 : i32
      scf.if %cond3A_130 {
        %dma_wait3A_157 = arith.constant 0 : i32
        %dma_wait3A_158 = arith.constant 0 : i32
        %dma_wait3A_159 = arith.constant 0 : i32
        %dma_wait3A_160 = tpu.memref_slice %arg6[%dma_wait3A_158, %dma_wait3A_159] : memref<2x16384xi32, #tpu.memory_space<vmem>> -> memref<1x16384xi32, #tpu.memory_space<vmem>>
        %dma_wait3A_161 = tpu.memref_squeeze %dma_wait3A_160 : memref<1x16384xi32, #tpu.memory_space<vmem>> -> memref<16384xi32, #tpu.memory_space<vmem>>
        %dma_wait3A_162 = arith.constant 0 : i32
        %dma_wait3A_163 = tpu.memref_slice %arg8[%dma_wait3A_157, %dma_wait3A_162] : memref<2x16384xi32, #tpu.memory_space<vmem_shared>> -> memref<1x16384xi32, #tpu.memory_space<vmem_shared>>
        %dma_wait3A_164 = tpu.memref_squeeze %dma_wait3A_163 : memref<1x16384xi32, #tpu.memory_space<vmem_shared>> -> memref<16384xi32, #tpu.memory_space<vmem_shared>>
        %dma_wait3A_165 = arith.constant 0 : i32
        %dma_wait3A_166 = tpu.memref_slice %arg6[%dma_wait3A_158, %dma_wait3A_165] : memref<2x16384xi32, #tpu.memory_space<vmem>> -> memref<1x16384xi32, #tpu.memory_space<vmem>>
        %dma_wait3A_167 = tpu.memref_squeeze %dma_wait3A_166 : memref<1x16384xi32, #tpu.memory_space<vmem>> -> memref<16384xi32, #tpu.memory_space<vmem>>
        %dma_wait3A_168 = arith.constant 0 : i32
        %dma_wait3A_169 = tpu.memref_slice %arg8[%dma_wait3A_157, %dma_wait3A_168] : memref<2x16384xi32, #tpu.memory_space<vmem_shared>> -> memref<1x16384xi32, #tpu.memory_space<vmem_shared>>
        %dma_wait3A_170 = tpu.memref_squeeze %dma_wait3A_169 : memref<1x16384xi32, #tpu.memory_space<vmem_shared>> -> memref<16384xi32, #tpu.memory_space<vmem_shared>>
        tpu.wait_dma2 semaphore(%arg11 : memref<!tpu.dma_semaphore, #tpu.memory_space<semaphore_mem>>) src(%dma_wait3A_170 : memref<16384xi32, #tpu.memory_space<vmem_shared>>) dst(%dma_wait3A_167 : memref<16384xi32, #tpu.memory_space<vmem>>)
      } else {
      }
      %lt3A_131 = arith.constant 64 : i32
      %lt3A_132 = arith.cmpi slt, %add3A_120, %lt3A_131 : i32
      %convert_element_type3A_133 = arith.extui %lt3A_132 : i1 to i32
      %cond3A_134 = arith.constant 0 : i32
      %cond3A_135 = arith.cmpi ne, %convert_element_type3A_133, %cond3A_134 : i32
      scf.if %cond3A_135 {
        %eq3A_157 = arith.constant 0 : i32
        %eq3A_158 = arith.cmpi eq, %arg1, %eq3A_157 : i32
        %convert_element_type3A_159 = arith.extui %eq3A_158 : i1 to i32
        %cond3A_160 = arith.constant 0 : i32
        %cond3A_161 = arith.cmpi ne, %convert_element_type3A_159, %cond3A_160 : i32
        scf.if %cond3A_161 {
          %mul3A_162 = arith.constant 16384 : i32
          %mul3A_163 = arith.muli %add3A_120, %mul3A_162 : i32
          %multiple_of3A = tpu.assume_multiple %mul3A_163, 8 : i32
          %dma_wait3A_164 = arith.constant 1 : i32
          %dma_wait3A_165 = arith.constant 0 : i32
          %dma_wait3A_166 = tpu.memref_slice %arg8[%dma_wait3A_164, %dma_wait3A_165] : memref<2x16384xi32, #tpu.memory_space<vmem_shared>> -> memref<1x16384xi32, #tpu.memory_space<vmem_shared>>
          %dma_wait3A_167 = tpu.memref_squeeze %dma_wait3A_166 : memref<1x16384xi32, #tpu.memory_space<vmem_shared>> -> memref<16384xi32, #tpu.memory_space<vmem_shared>>
          %dma_wait3A_168 = tpu.memref_slice %arg2[%multiple_of3A] : memref<1048576xi32, #tpu.memory_space<hbm>> -> memref<16384xi32, #tpu.memory_space<hbm>>
          tpu.wait_dma2 semaphore(%arg10 : memref<!tpu.dma_semaphore, #tpu.memory_space<semaphore_mem>>) src(%dma_wait3A_168 : memref<16384xi32, #tpu.memory_space<hbm>>) dst(%dma_wait3A_167 : memref<16384xi32, #tpu.memory_space<vmem_shared>>)
        } else {
        }
      } else {
      }
      %barrier3A_136 = arith.constant 0 : index
      tpu.barrier barrier_id(%barrier3A_136)
      %add3A_137 = arith.constant 1 : i32
      %add3A_138 = arith.addi %add3A_120, %add3A_137 : i32
      %lt3A_139 = arith.constant 64 : i32
      %lt3A_140 = arith.cmpi slt, %add3A_138, %lt3A_139 : i32
      %convert_element_type3A_141 = arith.extui %lt3A_140 : i1 to i32
      %cond3A_142 = arith.constant 0 : i32
      %cond3A_143 = arith.cmpi ne, %convert_element_type3A_141, %cond3A_142 : i32
      scf.if %cond3A_143 {
        %add3A_157 = arith.constant 1 : i32
        %add3A_158 = arith.addi %add3A_120, %add3A_157 : i32
        %eq3A_159 = arith.constant 0 : i32
        %eq3A_160 = arith.cmpi eq, %arg1, %eq3A_159 : i32
        %convert_element_type3A_161 = arith.extui %eq3A_160 : i1 to i32
        %cond3A_162 = arith.constant 0 : i32
        %cond3A_163 = arith.cmpi ne, %convert_element_type3A_161, %cond3A_162 : i32
        scf.if %cond3A_163 {
          %mul3A_164 = arith.constant 16384 : i32
          %mul3A_165 = arith.muli %add3A_158, %mul3A_164 : i32
          %multiple_of3A = tpu.assume_multiple %mul3A_165, 8 : i32
          %dma_start3A = arith.constant 0 : i32
          %dma_start3A_166 = arith.constant 0 : i32
          %dma_start3A_167 = tpu.memref_slice %arg8[%dma_start3A, %dma_start3A_166] : memref<2x16384xi32, #tpu.memory_space<vmem_shared>> -> memref<1x16384xi32, #tpu.memory_space<vmem_shared>>
          %dma_start3A_168 = tpu.memref_squeeze %dma_start3A_167 : memref<1x16384xi32, #tpu.memory_space<vmem_shared>> -> memref<16384xi32, #tpu.memory_space<vmem_shared>>
          %dma_start3A_169 = tpu.memref_slice %arg2[%multiple_of3A] : memref<1048576xi32, #tpu.memory_space<hbm>> -> memref<16384xi32, #tpu.memory_space<hbm>>
          tpu.enqueue_dma source(%dma_start3A_169 : memref<16384xi32, #tpu.memory_space<hbm>>) target(%dma_start3A_168 : memref<16384xi32, #tpu.memory_space<vmem_shared>>) target_semaphore(%arg9 : memref<!tpu.dma_semaphore, #tpu.memory_space<semaphore_mem>>)
        } else {
        }
      } else {
      }
      %lt3A_144 = arith.constant 64 : i32
      %lt3A_145 = arith.cmpi slt, %add3A_120, %lt3A_144 : i32
      %convert_element_type3A_146 = arith.extui %lt3A_145 : i1 to i32
      %cond3A_147 = arith.constant 0 : i32
      %cond3A_148 = arith.cmpi ne, %convert_element_type3A_146, %cond3A_147 : i32
      scf.if %cond3A_148 {
        %dma_start3A = arith.constant 1 : i32
        %dma_start3A_157 = arith.constant 1 : i32
        %dma_start3A_158 = arith.constant 0 : i32
        %dma_start3A_159 = tpu.memref_slice %arg6[%dma_start3A_157, %dma_start3A_158] : memref<2x16384xi32, #tpu.memory_space<vmem>> -> memref<1x16384xi32, #tpu.memory_space<vmem>>
        %dma_start3A_160 = tpu.memref_squeeze %dma_start3A_159 : memref<1x16384xi32, #tpu.memory_space<vmem>> -> memref<16384xi32, #tpu.memory_space<vmem>>
        %dma_start3A_161 = arith.constant 0 : i32
        %dma_start3A_162 = tpu.memref_slice %arg8[%dma_start3A, %dma_start3A_161] : memref<2x16384xi32, #tpu.memory_space<vmem_shared>> -> memref<1x16384xi32, #tpu.memory_space<vmem_shared>>
        %dma_start3A_163 = tpu.memref_squeeze %dma_start3A_162 : memref<1x16384xi32, #tpu.memory_space<vmem_shared>> -> memref<16384xi32, #tpu.memory_space<vmem_shared>>
        %dma_start3A_164 = arith.constant 0 : i32
        %dma_start3A_165 = tpu.memref_slice %arg6[%dma_start3A_157, %dma_start3A_164] : memref<2x16384xi32, #tpu.memory_space<vmem>> -> memref<1x16384xi32, #tpu.memory_space<vmem>>
        %dma_start3A_166 = tpu.memref_squeeze %dma_start3A_165 : memref<1x16384xi32, #tpu.memory_space<vmem>> -> memref<16384xi32, #tpu.memory_space<vmem>>
        %dma_start3A_167 = arith.constant 0 : i32
        %dma_start3A_168 = tpu.memref_slice %arg8[%dma_start3A, %dma_start3A_167] : memref<2x16384xi32, #tpu.memory_space<vmem_shared>> -> memref<1x16384xi32, #tpu.memory_space<vmem_shared>>
        %dma_start3A_169 = tpu.memref_squeeze %dma_start3A_168 : memref<1x16384xi32, #tpu.memory_space<vmem_shared>> -> memref<16384xi32, #tpu.memory_space<vmem_shared>>
        tpu.enqueue_dma source(%dma_start3A_169 : memref<16384xi32, #tpu.memory_space<vmem_shared>>) target(%dma_start3A_166 : memref<16384xi32, #tpu.memory_space<vmem>>) target_semaphore(%arg12 : memref<!tpu.dma_semaphore, #tpu.memory_space<semaphore_mem>>)
      } else {
      }
      %ge3A_149 = arith.constant 0 : i32
      %ge3A_150 = arith.cmpi sge, %sub3A_122, %ge3A_149 : i32
      %lt3A_151 = arith.constant 64 : i32
      %lt3A_152 = arith.cmpi slt, %sub3A_122, %lt3A_151 : i32
      %and3A_153 = arith.andi %ge3A_150, %lt3A_152 : i1
      %convert_element_type3A_154 = arith.extui %and3A_153 : i1 to i32
      %cond3A_155 = arith.constant 0 : i32
      %cond3A_156 = arith.cmpi ne, %convert_element_type3A_154, %cond3A_155 : i32
      scf.if %cond3A_156 {
        %ge3A_157 = arith.constant 2 : i32
        %ge3A_158 = arith.cmpi sge, %sub3A_122, %ge3A_157 : i32
        %convert_element_type3A_159 = arith.extui %ge3A_158 : i1 to i32
        %cond3A_160 = arith.constant 0 : i32
        %cond3A_161 = arith.cmpi ne, %convert_element_type3A_159, %cond3A_160 : i32
        scf.if %cond3A_161 {
          %sub3A_182 = arith.constant 2 : i32
          %sub3A_183 = arith.subi %sub3A_122, %sub3A_182 : i32
          %mul3A_184 = arith.constant 128 : i32
          %mul3A_185 = arith.muli %sub3A_183, %mul3A_184 : i32
          %dma_wait3A_186 = arith.constant 0 : i32
          %dma_wait3A_187 = arith.constant 0 : i32
          %dma_wait3A_188 = arith.constant 0 : i32
          %dma_wait3A_189 = arith.constant 0 : i32
          %dma_wait3A_190 = tpu.memref_slice %arg7[%dma_wait3A_186, %dma_wait3A_187, %dma_wait3A_188, %dma_wait3A_189] : memref<2x128x2x128xf32, #tpu.memory_space<vmem>> -> memref<1x128x2x128xf32, #tpu.memory_space<vmem>>
          %dma_wait3A_191 = tpu.memref_squeeze %dma_wait3A_190 : memref<1x128x2x128xf32, #tpu.memory_space<vmem>> -> memref<128x2x128xf32, #tpu.memory_space<vmem>>
          %dma_wait3A_192 = arith.constant 0 : i32
          %dma_wait3A_193 = tpu.memref_slice %arg4[%select_n3A, %mul3A_185, %select_n3A_32, %dma_wait3A_192] : memref<8x8192x8x128xf32, #tpu.memory_space<hbm>> -> memref<1x128x2x128xf32, #tpu.memory_space<hbm>>
          %dma_wait3A_194 = tpu.memref_squeeze %dma_wait3A_193 : memref<1x128x2x128xf32, #tpu.memory_space<hbm>> -> memref<128x2x128xf32, #tpu.memory_space<hbm>>
          %dma_wait3A_195 = arith.constant 0 : i32
          %dma_wait3A_196 = tpu.memref_slice %arg4[%select_n3A, %mul3A_185, %select_n3A_32, %dma_wait3A_195] : memref<8x8192x8x128xf32, #tpu.memory_space<hbm>> -> memref<1x128x2x128xf32, #tpu.memory_space<hbm>>
          %dma_wait3A_197 = tpu.memref_squeeze %dma_wait3A_196 : memref<1x128x2x128xf32, #tpu.memory_space<hbm>> -> memref<128x2x128xf32, #tpu.memory_space<hbm>>
          %dma_wait3A_198 = arith.constant 0 : i32
          %dma_wait3A_199 = arith.constant 0 : i32
          %dma_wait3A_200 = arith.constant 0 : i32
          %dma_wait3A_201 = tpu.memref_slice %arg7[%dma_wait3A_186, %dma_wait3A_198, %dma_wait3A_199, %dma_wait3A_200] : memref<2x128x2x128xf32, #tpu.memory_space<vmem>> -> memref<1x128x2x128xf32, #tpu.memory_space<vmem>>
          %dma_wait3A_202 = tpu.memref_squeeze %dma_wait3A_201 : memref<1x128x2x128xf32, #tpu.memory_space<vmem>> -> memref<128x2x128xf32, #tpu.memory_space<vmem>>
          tpu.wait_dma2 semaphore(%arg13 : memref<!tpu.dma_semaphore, #tpu.memory_space<semaphore_mem>>) src(%dma_wait3A_202 : memref<128x2x128xf32, #tpu.memory_space<vmem>>) dst(%dma_wait3A_197 : memref<128x2x128xf32, #tpu.memory_space<hbm>>)
        } else {
        }
        %parallel_loop3A = arith.constant 0 : i32
        %parallel_loop3A_162 = arith.constant 128 : i32
        %parallel_loop3A_163 = arith.constant 1 : i32
        scf.for %parallel_loop3A_182 = %parallel_loop3A to %parallel_loop3A_162 step %parallel_loop3A_163  : i32 {
          %parallel_loop3A_183 = arith.constant 128 : i32
          %parallel_loop3A_184 = arith.muli %parallel_loop3A_182, %parallel_loop3A_183 : i32
          %parallel_loop3A_185 = arith.constant 0 : i32
          %parallel_loop3A_186 = arith.addi %parallel_loop3A_184, %parallel_loop3A_185 : i32
          %parallel_loop3A_187 = arith.constant 0 : i32
          %parallel_loop3A_188 = arith.index_cast %parallel_loop3A_187 : i32 to index
          %parallel_loop3A_189 = arith.index_cast %parallel_loop3A_186 : i32 to index
          %parallel_loop3A_190 = tpu.vector_load %arg6[%parallel_loop3A_188, %parallel_loop3A_189] {strides = array<i32>} : memref<2x16384xi32, #tpu.memory_space<vmem>>, vector<16xi32>,
          %parallel_loop3A_191 = arith.constant 0 : i32
          %parallel_loop3A_192 = arith.constant 0 : i32
          %parallel_loop3A_193 = tpu.memref_slice %arg5[%parallel_loop3A_191, %parallel_loop3A_192] : memref<2x8192xf32, #tpu.memory_space<vmem>> -> memref<1x8192xf32, #tpu.memory_space<vmem>>
          %parallel_loop3A_194 = tpu.memref_squeeze %parallel_loop3A_193 : memref<1x8192xf32, #tpu.memory_space<vmem>> -> memref<8192xf32, #tpu.memory_space<vmem>>
          %parallel_loop3A_195 = tpu.vector_load_idx %parallel_loop3A_194[%parallel_loop3A_190] : memref<8192xf32, #tpu.memory_space<vmem>>[vector<16xi32>], vector<16xf32>,
          %parallel_loop3A_196 = arith.constant 0 : i32
          %parallel_loop3A_197 = arith.constant 0 : i32
          %parallel_loop3A_198 = arith.index_cast %parallel_loop3A_196 : i32 to index
          %parallel_loop3A_199 = arith.index_cast %parallel_loop3A_182 : i32 to index
          %parallel_loop3A_200 = arith.index_cast %parallel_loop3A_197 : i32 to index
          %parallel_loop3A_201 = arith.constant 0 : index
          %parallel_loop3A_202 = tpu.vector_load %arg7[%parallel_loop3A_198, %parallel_loop3A_199, %parallel_loop3A_200, %parallel_loop3A_201] {strides = array<i32>} : memref<2x128x2x128xf32, #tpu.memory_space<vmem>>, vector<16xf32>,
          tpu.vector_store %arg7[%parallel_loop3A_198, %parallel_loop3A_199, %parallel_loop3A_200, %parallel_loop3A_201], %parallel_loop3A_195 {strides = array<i32>} : memref<2x128x2x128xf32, #tpu.memory_space<vmem>>, vector<16xf32>,
          %parallel_loop3A_203 = arith.constant 1 : i32
          %parallel_loop3A_204 = arith.constant 0 : i32
          %parallel_loop3A_205 = tpu.memref_slice %arg5[%parallel_loop3A_203, %parallel_loop3A_204] : memref<2x8192xf32, #tpu.memory_space<vmem>> -> memref<1x8192xf32, #tpu.memory_space<vmem>>
          %parallel_loop3A_206 = tpu.memref_squeeze %parallel_loop3A_205 : memref<1x8192xf32, #tpu.memory_space<vmem>> -> memref<8192xf32, #tpu.memory_space<vmem>>
          %parallel_loop3A_207 = tpu.vector_load_idx %parallel_loop3A_206[%parallel_loop3A_190] : memref<8192xf32, #tpu.memory_space<vmem>>[vector<16xi32>], vector<16xf32>,
          %parallel_loop3A_208 = arith.constant 0 : i32
          %parallel_loop3A_209 = arith.constant 1 : i32
          %parallel_loop3A_210 = arith.index_cast %parallel_loop3A_208 : i32 to index
          %parallel_loop3A_211 = arith.index_cast %parallel_loop3A_182 : i32 to index
          %parallel_loop3A_212 = arith.index_cast %parallel_loop3A_209 : i32 to index
          %parallel_loop3A_213 = arith.constant 0 : index
          %parallel_loop3A_214 = tpu.vector_load %arg7[%parallel_loop3A_210, %parallel_loop3A_211, %parallel_loop3A_212, %parallel_loop3A_213] {strides = array<i32>} : memref<2x128x2x128xf32, #tpu.memory_space<vmem>>, vector<16xf32>,
          tpu.vector_store %arg7[%parallel_loop3A_210, %parallel_loop3A_211, %parallel_loop3A_212, %parallel_loop3A_213], %parallel_loop3A_207 {strides = array<i32>} : memref<2x128x2x128xf32, #tpu.memory_space<vmem>>, vector<16xf32>,
          %parallel_loop3A_215 = arith.constant 128 : i32
          %parallel_loop3A_216 = arith.muli %parallel_loop3A_182, %parallel_loop3A_215 : i32
          %parallel_loop3A_217 = arith.constant 16 : i32
          %parallel_loop3A_218 = arith.addi %parallel_loop3A_216, %parallel_loop3A_217 : i32
          %parallel_loop3A_219 = arith.constant 0 : i32
          %parallel_loop3A_220 = arith.index_cast %parallel_loop3A_219 : i32 to index
          %parallel_loop3A_221 = arith.index_cast %parallel_loop3A_218 : i32 to index
          %parallel_loop3A_222 = tpu.vector_load %arg6[%parallel_loop3A_220, %parallel_loop3A_221] {strides = array<i32>} : memref<2x16384xi32, #tpu.memory_space<vmem>>, vector<16xi32>,
          %parallel_loop3A_223 = arith.constant 0 : i32
          %parallel_loop3A_224 = arith.constant 0 : i32
          %parallel_loop3A_225 = tpu.memref_slice %arg5[%parallel_loop3A_223, %parallel_loop3A_224] : memref<2x8192xf32, #tpu.memory_space<vmem>> -> memref<1x8192xf32, #tpu.memory_space<vmem>>
          %parallel_loop3A_226 = tpu.memref_squeeze %parallel_loop3A_225 : memref<1x8192xf32, #tpu.memory_space<vmem>> -> memref<8192xf32, #tpu.memory_space<vmem>>
          %parallel_loop3A_227 = tpu.vector_load_idx %parallel_loop3A_226[%parallel_loop3A_222] : memref<8192xf32, #tpu.memory_space<vmem>>[vector<16xi32>], vector<16xf32>,
          %parallel_loop3A_228 = arith.constant 0 : i32
          %parallel_loop3A_229 = arith.constant 0 : i32
          %parallel_loop3A_230 = arith.index_cast %parallel_loop3A_228 : i32 to index
          %parallel_loop3A_231 = arith.index_cast %parallel_loop3A_182 : i32 to index
          %parallel_loop3A_232 = arith.index_cast %parallel_loop3A_229 : i32 to index
          %parallel_loop3A_233 = arith.constant 16 : index
          %parallel_loop3A_234 = tpu.vector_load %arg7[%parallel_loop3A_230, %parallel_loop3A_231, %parallel_loop3A_232, %parallel_loop3A_233] {strides = array<i32>} : memref<2x128x2x128xf32, #tpu.memory_space<vmem>>, vector<16xf32>,
          tpu.vector_store %arg7[%parallel_loop3A_230, %parallel_loop3A_231, %parallel_loop3A_232, %parallel_loop3A_233], %parallel_loop3A_227 {strides = array<i32>} : memref<2x128x2x128xf32, #tpu.memory_space<vmem>>, vector<16xf32>,
          %parallel_loop3A_235 = arith.constant 1 : i32
          %parallel_loop3A_236 = arith.constant 0 : i32
          %parallel_loop3A_237 = tpu.memref_slice %arg5[%parallel_loop3A_235, %parallel_loop3A_236] : memref<2x8192xf32, #tpu.memory_space<vmem>> -> memref<1x8192xf32, #tpu.memory_space<vmem>>
          %parallel_loop3A_238 = tpu.memref_squeeze %parallel_loop3A_237 : memref<1x8192xf32, #tpu.memory_space<vmem>> -> memref<8192xf32, #tpu.memory_space<vmem>>
          %parallel_loop3A_239 = tpu.vector_load_idx %parallel_loop3A_238[%parallel_loop3A_222] : memref<8192xf32, #tpu.memory_space<vmem>>[vector<16xi32>], vector<16xf32>,
          %parallel_loop3A_240 = arith.constant 0 : i32
          %parallel_loop3A_241 = arith.constant 1 : i32
          %parallel_loop3A_242 = arith.index_cast %parallel_loop3A_240 : i32 to index
          %parallel_loop3A_243 = arith.index_cast %parallel_loop3A_182 : i32 to index
          %parallel_loop3A_244 = arith.index_cast %parallel_loop3A_241 : i32 to index
          %parallel_loop3A_245 = arith.constant 16 : index
          %parallel_loop3A_246 = tpu.vector_load %arg7[%parallel_loop3A_242, %parallel_loop3A_243, %parallel_loop3A_244, %parallel_loop3A_245] {strides = array<i32>} : memref<2x128x2x128xf32, #tpu.memory_space<vmem>>, vector<16xf32>,
          tpu.vector_store %arg7[%parallel_loop3A_242, %parallel_loop3A_243, %parallel_loop3A_244, %parallel_loop3A_245], %parallel_loop3A_239 {strides = array<i32>} : memref<2x128x2x128xf32, #tpu.memory_space<vmem>>, vector<16xf32>,
          %parallel_loop3A_247 = arith.constant 128 : i32
          %parallel_loop3A_248 = arith.muli %parallel_loop3A_182, %parallel_loop3A_247 : i32
          %parallel_loop3A_249 = arith.constant 32 : i32
          %parallel_loop3A_250 = arith.addi %parallel_loop3A_248, %parallel_loop3A_249 : i32
          %parallel_loop3A_251 = arith.constant 0 : i32
          %parallel_loop3A_252 = arith.index_cast %parallel_loop3A_251 : i32 to index
          %parallel_loop3A_253 = arith.index_cast %parallel_loop3A_250 : i32 to index
          %parallel_loop3A_254 = tpu.vector_load %arg6[%parallel_loop3A_252, %parallel_loop3A_253] {strides = array<i32>} : memref<2x16384xi32, #tpu.memory_space<vmem>>, vector<16xi32>,
          %parallel_loop3A_255 = arith.constant 0 : i32
          %parallel_loop3A_256 = arith.constant 0 : i32
          %parallel_loop3A_257 = tpu.memref_slice %arg5[%parallel_loop3A_255, %parallel_loop3A_256] : memref<2x8192xf32, #tpu.memory_space<vmem>> -> memref<1x8192xf32, #tpu.memory_space<vmem>>
          %parallel_loop3A_258 = tpu.memref_squeeze %parallel_loop3A_257 : memref<1x8192xf32, #tpu.memory_space<vmem>> -> memref<8192xf32, #tpu.memory_space<vmem>>
          %parallel_loop3A_259 = tpu.vector_load_idx %parallel_loop3A_258[%parallel_loop3A_254] : memref<8192xf32, #tpu.memory_space<vmem>>[vector<16xi32>], vector<16xf32>,
          %parallel_loop3A_260 = arith.constant 0 : i32
          %parallel_loop3A_261 = arith.constant 0 : i32
          %parallel_loop3A_262 = arith.index_cast %parallel_loop3A_260 : i32 to index
          %parallel_loop3A_263 = arith.index_cast %parallel_loop3A_182 : i32 to index
          %parallel_loop3A_264 = arith.index_cast %parallel_loop3A_261 : i32 to index
          %parallel_loop3A_265 = arith.constant 32 : index
          %parallel_loop3A_266 = tpu.vector_load %arg7[%parallel_loop3A_262, %parallel_loop3A_263, %parallel_loop3A_264, %parallel_loop3A_265] {strides = array<i32>} : memref<2x128x2x128xf32, #tpu.memory_space<vmem>>, vector<16xf32>,
          tpu.vector_store %arg7[%parallel_loop3A_262, %parallel_loop3A_263, %parallel_loop3A_264, %parallel_loop3A_265], %parallel_loop3A_259 {strides = array<i32>} : memref<2x128x2x128xf32, #tpu.memory_space<vmem>>, vector<16xf32>,
          %parallel_loop3A_267 = arith.constant 1 : i32
          %parallel_loop3A_268 = arith.constant 0 : i32
          %parallel_loop3A_269 = tpu.memref_slice %arg5[%parallel_loop3A_267, %parallel_loop3A_268] : memref<2x8192xf32, #tpu.memory_space<vmem>> -> memref<1x8192xf32, #tpu.memory_space<vmem>>
          %parallel_loop3A_270 = tpu.memref_squeeze %parallel_loop3A_269 : memref<1x8192xf32, #tpu.memory_space<vmem>> -> memref<8192xf32, #tpu.memory_space<vmem>>
          %parallel_loop3A_271 = tpu.vector_load_idx %parallel_loop3A_270[%parallel_loop3A_254] : memref<8192xf32, #tpu.memory_space<vmem>>[vector<16xi32>], vector<16xf32>,
          %parallel_loop3A_272 = arith.constant 0 : i32
          %parallel_loop3A_273 = arith.constant 1 : i32
          %parallel_loop3A_274 = arith.index_cast %parallel_loop3A_272 : i32 to index
          %parallel_loop3A_275 = arith.index_cast %parallel_loop3A_182 : i32 to index
          %parallel_loop3A_276 = arith.index_cast %parallel_loop3A_273 : i32 to index
          %parallel_loop3A_277 = arith.constant 32 : index
          %parallel_loop3A_278 = tpu.vector_load %arg7[%parallel_loop3A_274, %parallel_loop3A_275, %parallel_loop3A_276, %parallel_loop3A_277] {strides = array<i32>} : memref<2x128x2x128xf32, #tpu.memory_space<vmem>>, vector<16xf32>,
          tpu.vector_store %arg7[%parallel_loop3A_274, %parallel_loop3A_275, %parallel_loop3A_276, %parallel_loop3A_277], %parallel_loop3A_271 {strides = array<i32>} : memref<2x128x2x128xf32, #tpu.memory_space<vmem>>, vector<16xf32>,
          %parallel_loop3A_279 = arith.constant 128 : i32
          %parallel_loop3A_280 = arith.muli %parallel_loop3A_182, %parallel_loop3A_279 : i32
          %parallel_loop3A_281 = arith.constant 48 : i32
          %parallel_loop3A_282 = arith.addi %parallel_loop3A_280, %parallel_loop3A_281 : i32
          %parallel_loop3A_283 = arith.constant 0 : i32
          %parallel_loop3A_284 = arith.index_cast %parallel_loop3A_283 : i32 to index
          %parallel_loop3A_285 = arith.index_cast %parallel_loop3A_282 : i32 to index
          %parallel_loop3A_286 = tpu.vector_load %arg6[%parallel_loop3A_284, %parallel_loop3A_285] {strides = array<i32>} : memref<2x16384xi32, #tpu.memory_space<vmem>>, vector<16xi32>,
          %parallel_loop3A_287 = arith.constant 0 : i32
          %parallel_loop3A_288 = arith.constant 0 : i32
          %parallel_loop3A_289 = tpu.memref_slice %arg5[%parallel_loop3A_287, %parallel_loop3A_288] : memref<2x8192xf32, #tpu.memory_space<vmem>> -> memref<1x8192xf32, #tpu.memory_space<vmem>>
          %parallel_loop3A_290 = tpu.memref_squeeze %parallel_loop3A_289 : memref<1x8192xf32, #tpu.memory_space<vmem>> -> memref<8192xf32, #tpu.memory_space<vmem>>
          %parallel_loop3A_291 = tpu.vector_load_idx %parallel_loop3A_290[%parallel_loop3A_286] : memref<8192xf32, #tpu.memory_space<vmem>>[vector<16xi32>], vector<16xf32>,
          %parallel_loop3A_292 = arith.constant 0 : i32
          %parallel_loop3A_293 = arith.constant 0 : i32
          %parallel_loop3A_294 = arith.index_cast %parallel_loop3A_292 : i32 to index
          %parallel_loop3A_295 = arith.index_cast %parallel_loop3A_182 : i32 to index
          %parallel_loop3A_296 = arith.index_cast %parallel_loop3A_293 : i32 to index
          %parallel_loop3A_297 = arith.constant 48 : index
          %parallel_loop3A_298 = tpu.vector_load %arg7[%parallel_loop3A_294, %parallel_loop3A_295, %parallel_loop3A_296, %parallel_loop3A_297] {strides = array<i32>} : memref<2x128x2x128xf32, #tpu.memory_space<vmem>>, vector<16xf32>,
          tpu.vector_store %arg7[%parallel_loop3A_294, %parallel_loop3A_295, %parallel_loop3A_296, %parallel_loop3A_297], %parallel_loop3A_291 {strides = array<i32>} : memref<2x128x2x128xf32, #tpu.memory_space<vmem>>, vector<16xf32>,
          %parallel_loop3A_299 = arith.constant 1 : i32
          %parallel_loop3A_300 = arith.constant 0 : i32
          %parallel_loop3A_301 = tpu.memref_slice %arg5[%parallel_loop3A_299, %parallel_loop3A_300] : memref<2x8192xf32, #tpu.memory_space<vmem>> -> memref<1x8192xf32, #tpu.memory_space<vmem>>
          %parallel_loop3A_302 = tpu.memref_squeeze %parallel_loop3A_301 : memref<1x8192xf32, #tpu.memory_space<vmem>> -> memref<8192xf32, #tpu.memory_space<vmem>>
          %parallel_loop3A_303 = tpu.vector_load_idx %parallel_loop3A_302[%parallel_loop3A_286] : memref<8192xf32, #tpu.memory_space<vmem>>[vector<16xi32>], vector<16xf32>,
          %parallel_loop3A_304 = arith.constant 0 : i32
          %parallel_loop3A_305 = arith.constant 1 : i32
          %parallel_loop3A_306 = arith.index_cast %parallel_loop3A_304 : i32 to index
          %parallel_loop3A_307 = arith.index_cast %parallel_loop3A_182 : i32 to index
          %parallel_loop3A_308 = arith.index_cast %parallel_loop3A_305 : i32 to index
          %parallel_loop3A_309 = arith.constant 48 : index
          %parallel_loop3A_310 = tpu.vector_load %arg7[%parallel_loop3A_306, %parallel_loop3A_307, %parallel_loop3A_308, %parallel_loop3A_309] {strides = array<i32>} : memref<2x128x2x128xf32, #tpu.memory_space<vmem>>, vector<16xf32>,
          tpu.vector_store %arg7[%parallel_loop3A_306, %parallel_loop3A_307, %parallel_loop3A_308, %parallel_loop3A_309], %parallel_loop3A_303 {strides = array<i32>} : memref<2x128x2x128xf32, #tpu.memory_space<vmem>>, vector<16xf32>,
          %parallel_loop3A_311 = arith.constant 128 : i32
          %parallel_loop3A_312 = arith.muli %parallel_loop3A_182, %parallel_loop3A_311 : i32
          %parallel_loop3A_313 = arith.constant 64 : i32
          %parallel_loop3A_314 = arith.addi %parallel_loop3A_312, %parallel_loop3A_313 : i32
          %parallel_loop3A_315 = arith.constant 0 : i32
          %parallel_loop3A_316 = arith.index_cast %parallel_loop3A_315 : i32 to index
          %parallel_loop3A_317 = arith.index_cast %parallel_loop3A_314 : i32 to index
          %parallel_loop3A_318 = tpu.vector_load %arg6[%parallel_loop3A_316, %parallel_loop3A_317] {strides = array<i32>} : memref<2x16384xi32, #tpu.memory_space<vmem>>, vector<16xi32>,
          %parallel_loop3A_319 = arith.constant 0 : i32
          %parallel_loop3A_320 = arith.constant 0 : i32
          %parallel_loop3A_321 = tpu.memref_slice %arg5[%parallel_loop3A_319, %parallel_loop3A_320] : memref<2x8192xf32, #tpu.memory_space<vmem>> -> memref<1x8192xf32, #tpu.memory_space<vmem>>
          %parallel_loop3A_322 = tpu.memref_squeeze %parallel_loop3A_321 : memref<1x8192xf32, #tpu.memory_space<vmem>> -> memref<8192xf32, #tpu.memory_space<vmem>>
          %parallel_loop3A_323 = tpu.vector_load_idx %parallel_loop3A_322[%parallel_loop3A_318] : memref<8192xf32, #tpu.memory_space<vmem>>[vector<16xi32>], vector<16xf32>,
          %parallel_loop3A_324 = arith.constant 0 : i32
          %parallel_loop3A_325 = arith.constant 0 : i32
          %parallel_loop3A_326 = arith.index_cast %parallel_loop3A_324 : i32 to index
          %parallel_loop3A_327 = arith.index_cast %parallel_loop3A_182 : i32 to index
          %parallel_loop3A_328 = arith.index_cast %parallel_loop3A_325 : i32 to index
          %parallel_loop3A_329 = arith.constant 64 : index
          %parallel_loop3A_330 = tpu.vector_load %arg7[%parallel_loop3A_326, %parallel_loop3A_327, %parallel_loop3A_328, %parallel_loop3A_329] {strides = array<i32>} : memref<2x128x2x128xf32, #tpu.memory_space<vmem>>, vector<16xf32>,
          tpu.vector_store %arg7[%parallel_loop3A_326, %parallel_loop3A_327, %parallel_loop3A_328, %parallel_loop3A_329], %parallel_loop3A_323 {strides = array<i32>} : memref<2x128x2x128xf32, #tpu.memory_space<vmem>>, vector<16xf32>,
          %parallel_loop3A_331 = arith.constant 1 : i32
          %parallel_loop3A_332 = arith.constant 0 : i32
          %parallel_loop3A_333 = tpu.memref_slice %arg5[%parallel_loop3A_331, %parallel_loop3A_332] : memref<2x8192xf32, #tpu.memory_space<vmem>> -> memref<1x8192xf32, #tpu.memory_space<vmem>>
          %parallel_loop3A_334 = tpu.memref_squeeze %parallel_loop3A_333 : memref<1x8192xf32, #tpu.memory_space<vmem>> -> memref<8192xf32, #tpu.memory_space<vmem>>
          %parallel_loop3A_335 = tpu.vector_load_idx %parallel_loop3A_334[%parallel_loop3A_318] : memref<8192xf32, #tpu.memory_space<vmem>>[vector<16xi32>], vector<16xf32>,
          %parallel_loop3A_336 = arith.constant 0 : i32
          %parallel_loop3A_337 = arith.constant 1 : i32
          %parallel_loop3A_338 = arith.index_cast %parallel_loop3A_336 : i32 to index
          %parallel_loop3A_339 = arith.index_cast %parallel_loop3A_182 : i32 to index
          %parallel_loop3A_340 = arith.index_cast %parallel_loop3A_337 : i32 to index
          %parallel_loop3A_341 = arith.constant 64 : index
          %parallel_loop3A_342 = tpu.vector_load %arg7[%parallel_loop3A_338, %parallel_loop3A_339, %parallel_loop3A_340, %parallel_loop3A_341] {strides = array<i32>} : memref<2x128x2x128xf32, #tpu.memory_space<vmem>>, vector<16xf32>,
          tpu.vector_store %arg7[%parallel_loop3A_338, %parallel_loop3A_339, %parallel_loop3A_340, %parallel_loop3A_341], %parallel_loop3A_335 {strides = array<i32>} : memref<2x128x2x128xf32, #tpu.memory_space<vmem>>, vector<16xf32>,
          %parallel_loop3A_343 = arith.constant 128 : i32
          %parallel_loop3A_344 = arith.muli %parallel_loop3A_182, %parallel_loop3A_343 : i32
          %parallel_loop3A_345 = arith.constant 80 : i32
          %parallel_loop3A_346 = arith.addi %parallel_loop3A_344, %parallel_loop3A_345 : i32
          %parallel_loop3A_347 = arith.constant 0 : i32
          %parallel_loop3A_348 = arith.index_cast %parallel_loop3A_347 : i32 to index
          %parallel_loop3A_349 = arith.index_cast %parallel_loop3A_346 : i32 to index
          %parallel_loop3A_350 = tpu.vector_load %arg6[%parallel_loop3A_348, %parallel_loop3A_349] {strides = array<i32>} : memref<2x16384xi32, #tpu.memory_space<vmem>>, vector<16xi32>,
          %parallel_loop3A_351 = arith.constant 0 : i32
          %parallel_loop3A_352 = arith.constant 0 : i32
          %parallel_loop3A_353 = tpu.memref_slice %arg5[%parallel_loop3A_351, %parallel_loop3A_352] : memref<2x8192xf32, #tpu.memory_space<vmem>> -> memref<1x8192xf32, #tpu.memory_space<vmem>>
          %parallel_loop3A_354 = tpu.memref_squeeze %parallel_loop3A_353 : memref<1x8192xf32, #tpu.memory_space<vmem>> -> memref<8192xf32, #tpu.memory_space<vmem>>
          %parallel_loop3A_355 = tpu.vector_load_idx %parallel_loop3A_354[%parallel_loop3A_350] : memref<8192xf32, #tpu.memory_space<vmem>>[vector<16xi32>], vector<16xf32>,
          %parallel_loop3A_356 = arith.constant 0 : i32
          %parallel_loop3A_357 = arith.constant 0 : i32
          %parallel_loop3A_358 = arith.index_cast %parallel_loop3A_356 : i32 to index
          %parallel_loop3A_359 = arith.index_cast %parallel_loop3A_182 : i32 to index
          %parallel_loop3A_360 = arith.index_cast %parallel_loop3A_357 : i32 to index
          %parallel_loop3A_361 = arith.constant 80 : index
          %parallel_loop3A_362 = tpu.vector_load %arg7[%parallel_loop3A_358, %parallel_loop3A_359, %parallel_loop3A_360, %parallel_loop3A_361] {strides = array<i32>} : memref<2x128x2x128xf32, #tpu.memory_space<vmem>>, vector<16xf32>,
          tpu.vector_store %arg7[%parallel_loop3A_358, %parallel_loop3A_359, %parallel_loop3A_360, %parallel_loop3A_361], %parallel_loop3A_355 {strides = array<i32>} : memref<2x128x2x128xf32, #tpu.memory_space<vmem>>, vector<16xf32>,
          %parallel_loop3A_363 = arith.constant 1 : i32
          %parallel_loop3A_364 = arith.constant 0 : i32
          %parallel_loop3A_365 = tpu.memref_slice %arg5[%parallel_loop3A_363, %parallel_loop3A_364] : memref<2x8192xf32, #tpu.memory_space<vmem>> -> memref<1x8192xf32, #tpu.memory_space<vmem>>
          %parallel_loop3A_366 = tpu.memref_squeeze %parallel_loop3A_365 : memref<1x8192xf32, #tpu.memory_space<vmem>> -> memref<8192xf32, #tpu.memory_space<vmem>>
          %parallel_loop3A_367 = tpu.vector_load_idx %parallel_loop3A_366[%parallel_loop3A_350] : memref<8192xf32, #tpu.memory_space<vmem>>[vector<16xi32>], vector<16xf32>,
          %parallel_loop3A_368 = arith.constant 0 : i32
          %parallel_loop3A_369 = arith.constant 1 : i32
          %parallel_loop3A_370 = arith.index_cast %parallel_loop3A_368 : i32 to index
          %parallel_loop3A_371 = arith.index_cast %parallel_loop3A_182 : i32 to index
          %parallel_loop3A_372 = arith.index_cast %parallel_loop3A_369 : i32 to index
          %parallel_loop3A_373 = arith.constant 80 : index
          %parallel_loop3A_374 = tpu.vector_load %arg7[%parallel_loop3A_370, %parallel_loop3A_371, %parallel_loop3A_372, %parallel_loop3A_373] {strides = array<i32>} : memref<2x128x2x128xf32, #tpu.memory_space<vmem>>, vector<16xf32>,
          tpu.vector_store %arg7[%parallel_loop3A_370, %parallel_loop3A_371, %parallel_loop3A_372, %parallel_loop3A_373], %parallel_loop3A_367 {strides = array<i32>} : memref<2x128x2x128xf32, #tpu.memory_space<vmem>>, vector<16xf32>,
          %parallel_loop3A_375 = arith.constant 128 : i32
          %parallel_loop3A_376 = arith.muli %parallel_loop3A_182, %parallel_loop3A_375 : i32
          %parallel_loop3A_377 = arith.constant 96 : i32
          %parallel_loop3A_378 = arith.addi %parallel_loop3A_376, %parallel_loop3A_377 : i32
          %parallel_loop3A_379 = arith.constant 0 : i32
          %parallel_loop3A_380 = arith.index_cast %parallel_loop3A_379 : i32 to index
          %parallel_loop3A_381 = arith.index_cast %parallel_loop3A_378 : i32 to index
          %parallel_loop3A_382 = tpu.vector_load %arg6[%parallel_loop3A_380, %parallel_loop3A_381] {strides = array<i32>} : memref<2x16384xi32, #tpu.memory_space<vmem>>, vector<16xi32>,
          %parallel_loop3A_383 = arith.constant 0 : i32
          %parallel_loop3A_384 = arith.constant 0 : i32
          %parallel_loop3A_385 = tpu.memref_slice %arg5[%parallel_loop3A_383, %parallel_loop3A_384] : memref<2x8192xf32, #tpu.memory_space<vmem>> -> memref<1x8192xf32, #tpu.memory_space<vmem>>
          %parallel_loop3A_386 = tpu.memref_squeeze %parallel_loop3A_385 : memref<1x8192xf32, #tpu.memory_space<vmem>> -> memref<8192xf32, #tpu.memory_space<vmem>>
          %parallel_loop3A_387 = tpu.vector_load_idx %parallel_loop3A_386[%parallel_loop3A_382] : memref<8192xf32, #tpu.memory_space<vmem>>[vector<16xi32>], vector<16xf32>,
          %parallel_loop3A_388 = arith.constant 0 : i32
          %parallel_loop3A_389 = arith.constant 0 : i32
          %parallel_loop3A_390 = arith.index_cast %parallel_loop3A_388 : i32 to index
          %parallel_loop3A_391 = arith.index_cast %parallel_loop3A_182 : i32 to index
          %parallel_loop3A_392 = arith.index_cast %parallel_loop3A_389 : i32 to index
          %parallel_loop3A_393 = arith.constant 96 : index
          %parallel_loop3A_394 = tpu.vector_load %arg7[%parallel_loop3A_390, %parallel_loop3A_391, %parallel_loop3A_392, %parallel_loop3A_393] {strides = array<i32>} : memref<2x128x2x128xf32, #tpu.memory_space<vmem>>, vector<16xf32>,
          tpu.vector_store %arg7[%parallel_loop3A_390, %parallel_loop3A_391, %parallel_loop3A_392, %parallel_loop3A_393], %parallel_loop3A_387 {strides = array<i32>} : memref<2x128x2x128xf32, #tpu.memory_space<vmem>>, vector<16xf32>,
          %parallel_loop3A_395 = arith.constant 1 : i32
          %parallel_loop3A_396 = arith.constant 0 : i32
          %parallel_loop3A_397 = tpu.memref_slice %arg5[%parallel_loop3A_395, %parallel_loop3A_396] : memref<2x8192xf32, #tpu.memory_space<vmem>> -> memref<1x8192xf32, #tpu.memory_space<vmem>>
          %parallel_loop3A_398 = tpu.memref_squeeze %parallel_loop3A_397 : memref<1x8192xf32, #tpu.memory_space<vmem>> -> memref<8192xf32, #tpu.memory_space<vmem>>
          %parallel_loop3A_399 = tpu.vector_load_idx %parallel_loop3A_398[%parallel_loop3A_382] : memref<8192xf32, #tpu.memory_space<vmem>>[vector<16xi32>], vector<16xf32>,
          %parallel_loop3A_400 = arith.constant 0 : i32
          %parallel_loop3A_401 = arith.constant 1 : i32
          %parallel_loop3A_402 = arith.index_cast %parallel_loop3A_400 : i32 to index
          %parallel_loop3A_403 = arith.index_cast %parallel_loop3A_182 : i32 to index
          %parallel_loop3A_404 = arith.index_cast %parallel_loop3A_401 : i32 to index
          %parallel_loop3A_405 = arith.constant 96 : index
          %parallel_loop3A_406 = tpu.vector_load %arg7[%parallel_loop3A_402, %parallel_loop3A_403, %parallel_loop3A_404, %parallel_loop3A_405] {strides = array<i32>} : memref<2x128x2x128xf32, #tpu.memory_space<vmem>>, vector<16xf32>,
          tpu.vector_store %arg7[%parallel_loop3A_402, %parallel_loop3A_403, %parallel_loop3A_404, %parallel_loop3A_405], %parallel_loop3A_399 {strides = array<i32>} : memref<2x128x2x128xf32, #tpu.memory_space<vmem>>, vector<16xf32>,
          %parallel_loop3A_407 = arith.constant 128 : i32
          %parallel_loop3A_408 = arith.muli %parallel_loop3A_182, %parallel_loop3A_407 : i32
          %parallel_loop3A_409 = arith.constant 112 : i32
          %parallel_loop3A_410 = arith.addi %parallel_loop3A_408, %parallel_loop3A_409 : i32
          %parallel_loop3A_411 = arith.constant 0 : i32
          %parallel_loop3A_412 = arith.index_cast %parallel_loop3A_411 : i32 to index
          %parallel_loop3A_413 = arith.index_cast %parallel_loop3A_410 : i32 to index
          %parallel_loop3A_414 = tpu.vector_load %arg6[%parallel_loop3A_412, %parallel_loop3A_413] {strides = array<i32>} : memref<2x16384xi32, #tpu.memory_space<vmem>>, vector<16xi32>,
          %parallel_loop3A_415 = arith.constant 0 : i32
          %parallel_loop3A_416 = arith.constant 0 : i32
          %parallel_loop3A_417 = tpu.memref_slice %arg5[%parallel_loop3A_415, %parallel_loop3A_416] : memref<2x8192xf32, #tpu.memory_space<vmem>> -> memref<1x8192xf32, #tpu.memory_space<vmem>>
          %parallel_loop3A_418 = tpu.memref_squeeze %parallel_loop3A_417 : memref<1x8192xf32, #tpu.memory_space<vmem>> -> memref<8192xf32, #tpu.memory_space<vmem>>
          %parallel_loop3A_419 = tpu.vector_load_idx %parallel_loop3A_418[%parallel_loop3A_414] : memref<8192xf32, #tpu.memory_space<vmem>>[vector<16xi32>], vector<16xf32>,
          %parallel_loop3A_420 = arith.constant 0 : i32
          %parallel_loop3A_421 = arith.constant 0 : i32
          %parallel_loop3A_422 = arith.index_cast %parallel_loop3A_420 : i32 to index
          %parallel_loop3A_423 = arith.index_cast %parallel_loop3A_182 : i32 to index
          %parallel_loop3A_424 = arith.index_cast %parallel_loop3A_421 : i32 to index
          %parallel_loop3A_425 = arith.constant 112 : index
          %parallel_loop3A_426 = tpu.vector_load %arg7[%parallel_loop3A_422, %parallel_loop3A_423, %parallel_loop3A_424, %parallel_loop3A_425] {strides = array<i32>} : memref<2x128x2x128xf32, #tpu.memory_space<vmem>>, vector<16xf32>,
          tpu.vector_store %arg7[%parallel_loop3A_422, %parallel_loop3A_423, %parallel_loop3A_424, %parallel_loop3A_425], %parallel_loop3A_419 {strides = array<i32>} : memref<2x128x2x128xf32, #tpu.memory_space<vmem>>, vector<16xf32>,
          %parallel_loop3A_427 = arith.constant 1 : i32
          %parallel_loop3A_428 = arith.constant 0 : i32
          %parallel_loop3A_429 = tpu.memref_slice %arg5[%parallel_loop3A_427, %parallel_loop3A_428] : memref<2x8192xf32, #tpu.memory_space<vmem>> -> memref<1x8192xf32, #tpu.memory_space<vmem>>
          %parallel_loop3A_430 = tpu.memref_squeeze %parallel_loop3A_429 : memref<1x8192xf32, #tpu.memory_space<vmem>> -> memref<8192xf32, #tpu.memory_space<vmem>>
          %parallel_loop3A_431 = tpu.vector_load_idx %parallel_loop3A_430[%parallel_loop3A_414] : memref<8192xf32, #tpu.memory_space<vmem>>[vector<16xi32>], vector<16xf32>,
          %parallel_loop3A_432 = arith.constant 0 : i32
          %parallel_loop3A_433 = arith.constant 1 : i32
          %parallel_loop3A_434 = arith.index_cast %parallel_loop3A_432 : i32 to index
          %parallel_loop3A_435 = arith.index_cast %parallel_loop3A_182 : i32 to index
          %parallel_loop3A_436 = arith.index_cast %parallel_loop3A_433 : i32 to index
          %parallel_loop3A_437 = arith.constant 112 : index
          %parallel_loop3A_438 = tpu.vector_load %arg7[%parallel_loop3A_434, %parallel_loop3A_435, %parallel_loop3A_436, %parallel_loop3A_437] {strides = array<i32>} : memref<2x128x2x128xf32, #tpu.memory_space<vmem>>, vector<16xf32>,
          tpu.vector_store %arg7[%parallel_loop3A_434, %parallel_loop3A_435, %parallel_loop3A_436, %parallel_loop3A_437], %parallel_loop3A_431 {strides = array<i32>} : memref<2x128x2x128xf32, #tpu.memory_space<vmem>>, vector<16xf32>,
        } {sc.loop_unroll_factor = 8 : i64, sc.parallel_access}
        %mul3A_164 = arith.constant 128 : i32
        %mul3A_165 = arith.muli %sub3A_122, %mul3A_164 : i32
        %dma_start3A = arith.constant 0 : i32
        %dma_start3A_166 = arith.constant 0 : i32
        %dma_start3A_167 = arith.constant 0 : i32
        %dma_start3A_168 = arith.constant 0 : i32
        %dma_start3A_169 = tpu.memref_slice %arg7[%dma_start3A, %dma_start3A_166, %dma_start3A_167, %dma_start3A_168] : memref<2x128x2x128xf32, #tpu.memory_space<vmem>> -> memref<1x128x2x128xf32, #tpu.memory_space<vmem>>
        %dma_start3A_170 = tpu.memref_squeeze %dma_start3A_169 : memref<1x128x2x128xf32, #tpu.memory_space<vmem>> -> memref<128x2x128xf32, #tpu.memory_space<vmem>>
        %dma_start3A_171 = arith.constant 0 : i32
        %dma_start3A_172 = tpu.memref_slice %arg4[%select_n3A, %mul3A_165, %select_n3A_32, %dma_start3A_171] : memref<8x8192x8x128xf32, #tpu.memory_space<hbm>> -> memref<1x128x2x128xf32, #tpu.memory_space<hbm>>
        %dma_start3A_173 = tpu.memref_squeeze %dma_start3A_172 : memref<1x128x2x128xf32, #tpu.memory_space<hbm>> -> memref<128x2x128xf32, #tpu.memory_space<hbm>>
        %dma_start3A_174 = arith.constant 0 : i32
        %dma_start3A_175 = tpu.memref_slice %arg4[%select_n3A, %mul3A_165, %select_n3A_32, %dma_start3A_174] : memref<8x8192x8x128xf32, #tpu.memory_space<hbm>> -> memref<1x128x2x128xf32, #tpu.memory_space<hbm>>
        %dma_start3A_176 = tpu.memref_squeeze %dma_start3A_175 : memref<1x128x2x128xf32, #tpu.memory_space<hbm>> -> memref<128x2x128xf32, #tpu.memory_space<hbm>>
        %dma_start3A_177 = arith.constant 0 : i32
        %dma_start3A_178 = arith.constant 0 : i32
        %dma_start3A_179 = arith.constant 0 : i32
        %dma_start3A_180 = tpu.memref_slice %arg7[%dma_start3A, %dma_start3A_177, %dma_start3A_178, %dma_start3A_179] : memref<2x128x2x128xf32, #tpu.memory_space<vmem>> -> memref<1x128x2x128xf32, #tpu.memory_space<vmem>>
        %dma_start3A_181 = tpu.memref_squeeze %dma_start3A_180 : memref<1x128x2x128xf32, #tpu.memory_space<vmem>> -> memref<128x2x128xf32, #tpu.memory_space<vmem>>
        tpu.enqueue_dma source(%dma_start3A_181 : memref<128x2x128xf32, #tpu.memory_space<vmem>>) target(%dma_start3A_176 : memref<128x2x128xf32, #tpu.memory_space<hbm>>) target_semaphore(%arg13 : memref<!tpu.dma_semaphore, #tpu.memory_space<semaphore_mem>>)
      } else {
      }
    }
    %scan3A_40 = arith.constant 33 : i32
    %dma_wait3A = arith.constant 0 : i32
    %dma_wait3A_41 = arith.constant 0 : i32
    %dma_wait3A_42 = arith.constant 0 : i32
    %dma_wait3A_43 = arith.constant 0 : i32
    %dma_wait3A_44 = tpu.memref_slice %arg7[%dma_wait3A, %dma_wait3A_41, %dma_wait3A_42, %dma_wait3A_43] : memref<2x128x2x128xf32, #tpu.memory_space<vmem>> -> memref<1x128x2x128xf32, #tpu.memory_space<vmem>>
    %dma_wait3A_45 = tpu.memref_squeeze %dma_wait3A_44 : memref<1x128x2x128xf32, #tpu.memory_space<vmem>> -> memref<128x2x128xf32, #tpu.memory_space<vmem>>
    %dma_wait3A_46 = arith.constant 7936 : i32
    %dma_wait3A_47 = arith.constant 0 : i32
    %dma_wait3A_48 = tpu.memref_slice %arg4[%select_n3A, %dma_wait3A_46, %select_n3A_32, %dma_wait3A_47] : memref<8x8192x8x128xf32, #tpu.memory_space<hbm>> -> memref<1x128x2x128xf32, #tpu.memory_space<hbm>>
    %dma_wait3A_49 = tpu.memref_squeeze %dma_wait3A_48 : memref<1x128x2x128xf32, #tpu.memory_space<hbm>> -> memref<128x2x128xf32, #tpu.memory_space<hbm>>
    %dma_wait3A_50 = arith.constant 7936 : i32
    %dma_wait3A_51 = arith.constant 0 : i32
    %dma_wait3A_52 = tpu.memref_slice %arg4[%select_n3A, %dma_wait3A_50, %select_n3A_32, %dma_wait3A_51] : memref<8x8192x8x128xf32, #tpu.memory_space<hbm>> -> memref<1x128x2x128xf32, #tpu.memory_space<hbm>>
    %dma_wait3A_53 = tpu.memref_squeeze %dma_wait3A_52 : memref<1x128x2x128xf32, #tpu.memory_space<hbm>> -> memref<128x2x128xf32, #tpu.memory_space<hbm>>
    %dma_wait3A_54 = arith.constant 0 : i32
    %dma_wait3A_55 = arith.constant 0 : i32
    %dma_wait3A_56 = arith.constant 0 : i32
    %dma_wait3A_57 = tpu.memref_slice %arg7[%dma_wait3A, %dma_wait3A_54, %dma_wait3A_55, %dma_wait3A_56] : memref<2x128x2x128xf32, #tpu.memory_space<vmem>> -> memref<1x128x2x128xf32, #tpu.memory_space<vmem>>
    %dma_wait3A_58 = tpu.memref_squeeze %dma_wait3A_57 : memref<1x128x2x128xf32, #tpu.memory_space<vmem>> -> memref<128x2x128xf32, #tpu.memory_space<vmem>>
    tpu.wait_dma2 semaphore(%arg13 : memref<!tpu.dma_semaphore, #tpu.memory_space<semaphore_mem>>) src(%dma_wait3A_58 : memref<128x2x128xf32, #tpu.memory_space<vmem>>) dst(%dma_wait3A_53 : memref<128x2x128xf32, #tpu.memory_space<hbm>>)
    %dma_wait3A_59 = arith.constant 1 : i32
    %dma_wait3A_60 = arith.constant 0 : i32
    %dma_wait3A_61 = arith.constant 0 : i32
    %dma_wait3A_62 = arith.constant 0 : i32
    %dma_wait3A_63 = tpu.memref_slice %arg7[%dma_wait3A_59, %dma_wait3A_60, %dma_wait3A_61, %dma_wait3A_62] : memref<2x128x2x128xf32, #tpu.memory_space<vmem>> -> memref<1x128x2x128xf32, #tpu.memory_space<vmem>>
    %dma_wait3A_64 = tpu.memref_squeeze %dma_wait3A_63 : memref<1x128x2x128xf32, #tpu.memory_space<vmem>> -> memref<128x2x128xf32, #tpu.memory_space<vmem>>
    %dma_wait3A_65 = arith.constant 8064 : i32
    %dma_wait3A_66 = arith.constant 0 : i32
    %dma_wait3A_67 = tpu.memref_slice %arg4[%select_n3A, %dma_wait3A_65, %select_n3A_32, %dma_wait3A_66] : memref<8x8192x8x128xf32, #tpu.memory_space<hbm>> -> memref<1x128x2x128xf32, #tpu.memory_space<hbm>>
    %dma_wait3A_68 = tpu.memref_squeeze %dma_wait3A_67 : memref<1x128x2x128xf32, #tpu.memory_space<hbm>> -> memref<128x2x128xf32, #tpu.memory_space<hbm>>
    %dma_wait3A_69 = arith.constant 8064 : i32
    %dma_wait3A_70 = arith.constant 0 : i32
    %dma_wait3A_71 = tpu.memref_slice %arg4[%select_n3A, %dma_wait3A_69, %select_n3A_32, %dma_wait3A_70] : memref<8x8192x8x128xf32, #tpu.memory_space<hbm>> -> memref<1x128x2x128xf32, #tpu.memory_space<hbm>>
    %dma_wait3A_72 = tpu.memref_squeeze %dma_wait3A_71 : memref<1x128x2x128xf32, #tpu.memory_space<hbm>> -> memref<128x2x128xf32, #tpu.memory_space<hbm>>
    %dma_wait3A_73 = arith.constant 0 : i32
    %dma_wait3A_74 = arith.constant 0 : i32
    %dma_wait3A_75 = arith.constant 0 : i32
    %dma_wait3A_76 = tpu.memref_slice %arg7[%dma_wait3A_59, %dma_wait3A_73, %dma_wait3A_74, %dma_wait3A_75] : memref<2x128x2x128xf32, #tpu.memory_space<vmem>> -> memref<1x128x2x128xf32, #tpu.memory_space<vmem>>
    %dma_wait3A_77 = tpu.memref_squeeze %dma_wait3A_76 : memref<1x128x2x128xf32, #tpu.memory_space<vmem>> -> memref<128x2x128xf32, #tpu.memory_space<vmem>>
    tpu.wait_dma2 semaphore(%arg14 : memref<!tpu.dma_semaphore, #tpu.memory_space<semaphore_mem>>) src(%dma_wait3A_77 : memref<128x2x128xf32, #tpu.memory_space<vmem>>) dst(%dma_wait3A_72 : memref<128x2x128xf32, #tpu.memory_space<hbm>>)
    return
  }
}

</mosaic_0001>

<sc_bundles>
// kernel: kernel.3.cloned.1.call-start
scs
__scs_entry_jumppad:
0x0: {  	(pc) =	sbr.rel $0x88, $3  }
0x1: {  	(tag) =	ssettag $0x0;
	lr =	simm.s32 $0x1  }
0x2: {  	[smem:$0x3F9F] =	sst lr;
	_ =	strace $0xD0000000  }
0x3: {  	_ = 	snop  }
0x4: {  	_ = 	snop  }
0x5: {  	_ = 	snop  }
0x6: {  	_ = 	snop  }
0x7: {  	_ = 	snop  }
__scs_overlays_trampoline_lowered:
0x8: {  	[smem:$0x3FAE] =	sst s0  }
0x9: {  	[smem:$0x3FAF] =	sst s1  }
0xa: {  	[smem:$0x3FB0] =	sst s2  }
0xb: {  	[smem:$0x3FB1] =	sst s3  }
0xc: {  	[smem:$0x3FB2] =	sst s4  }
0xd: {  	[smem:$0x3FB3] =	sst s5  }
0xe: {  	[smem:$0x3FB4] =	sst s6  }
0xf: {  	[smem:$0x3FB5] =	sst s7  }
0x10: {  	[smem:$0x3FB6] =	sst s8  }
0x11: {  	[smem:$0x3FB7] =	sst s9;
	s0 =	simm.s32 @!p0 $0x0  }
0x12: {  	s1 =	sld [smem:$0x3F9D];
	s0 =	simm.s32 @p0 $0x1  }
0x13: {  	[smem:$0x3FB8] =	sst s0;
	s0 =	simm.s32 @!p1 $0x0  }
0x14: {  	s2 =	sld [smem:$0x3F9C];
	s0 =	simm.s32 @p1 $0x1  }
0x15: {  	[smem:$0x3FB9] =	sst s0;
	s0 =	simm.s32 @!p2 $0x0  }
0x16: {  	s3 =	sld [smem:$0x3FDB];
	s0 =	simm.s32 @p2 $0x1  }
0x17: {  	s4 =	simm.s32 $0x1BF5;
	[smem:$0x3FBB] =	sst s0  }
0x18: {  	s0 =	sld [smem:$0x3F9E];
	_ =	swait.ge [sflag:s4], $0x0  }
0x19: {  	s7 =	sld [smem:$0x3F9F]  }
0x1a: {  	s8 =	sadd.s32 $0xFFFFE003, lr  }
0x1b: {  	s9 =	sadd.s32 $0xFFFFFEF7, lr;
	s5 =	simm.s32 $0xFFFFFFFF;
	p2 =	slt.u32 s8, $0xFFFFF086  }
0x1c: {  	p1 =	slt.u32 s9, $0xF7A;
	s5 =	simm.s32 @!p2 $0x0  }
0x1d: {  	s5 =	simm.s32 @p1 $0x1;
	p0 =	seq.s32 s7, s2  }
0x1e: {  	s7 =	smul.u32 @!p0 $0xF7A, s2;
	p2 =	seq.s32 @!p0 s5, $0x0  }
0x1f: {  	s9 =	smul.u32 $0xF7A, s1;
	s8 =	simm.s32 @!p0 $0x1BF5;
	p2 =	por !p2, p0  }
0x20: {  	[sflag:s8] =	ssyncset.s32 @!p0 $0xFFFFF086;
	s6 =	sadd.s32 @!p0 s3, s7;
	s7 =	simm.s32 @!p0 $0x108  }
0x21: {  	s3 =	sadd.s32 s3, s9;
	s6 =	sadd.s32 @!p0 $0x88, s6;
	s7 =	simm.s32 @p2 $0x1082  }
0x22: {  	[simem:s7], [sflag:s8] =	dma.local @!p0 [hbm:s6], $0xF7A  }
0x23: {  	s9 =	sor.u32 $0xD0000000, s2;
	s6 =	simm.s32 $0x108;
	_ =	swait.ge @!p0 [sflag:s8], $0x0  }
0x24: {  	s3 =	sadd.s32 $0x88, s3;
	s6 =	simm.s32 @!p1 $0x1082;
	[sflag:s4] =	ssyncset.s32 $0xFFFFF086  }
0x25: {  	[simem:s6], [sflag:s4] =	dma.local [hbm:s3], $0xF7A  }
0x26: {  	[smem:$0x3F9F] =	sst s1;
	(tag) =	ssettag s2;
	_ =	strace s9  }
0x27: {  	s1 =	sld [smem:$0x3FAF]  }
0x28: {  	s2 =	sld [smem:$0x3FB0]  }
0x29: {  	s4 =	sld [smem:$0x3FB2]  }
0x2a: {  	p0 =	seq.s32 s5, $0x0;
	s5 =	sld [smem:$0x3FB3]  }
0x2b: {  	s6 =	sld [smem:$0x3FB4]  }
0x2c: {  	s7 =	sld [smem:$0x3FB5]  }
0x2d: {  	s3 =	simm.s32 $0x108;
	s8 =	sld [smem:$0x3FB6]  }
0x2e: {  	s3 =	simm.s32 @!p0 $0x1082;
	s9 =	sld [smem:$0x3FB7]  }
0x2f: {  	lr =	sadd.s32 s0, s3;
	s0 =	sld [smem:$0x3FAE]  }
0x30: {  	s3 =	sld [smem:$0x3FB1]  }
0x31: {  	[smem:$0x3FBA] =	sst s10  }
0x32: {  	s10 =	sld [smem:$0x3FB8];
	_ =	sdelay $0x3  }
0x33: {  	p0 =	seq.s32 s10, $0x1;
	s10 =	sld [smem:$0x3FBA];
	_ =	sdelay $0x3  }
0x34: {  	[smem:$0x3FBA] =	sst s10  }
0x35: {  	s10 =	sld [smem:$0x3FB9];
	_ =	sdelay $0x3  }
0x36: {  	p1 =	seq.s32 s10, $0x1;
	s10 =	sld [smem:$0x3FBA];
	_ =	sdelay $0x3  }
0x37: {  	[smem:$0x3FBA] =	sst s10  }
0x38: {  	s10 =	sld [smem:$0x3FBB]  }
0x39: {  	_ = 	snop;
	(pc) =	sbr.ind lr, $3  }
0x3a: {  	_ = 	snop  }
0x3b: {  	_ = 	snop  }
0x3c: {  	p2 =	seq.s32 s10, $0x1;
	s10 =	sld [smem:$0x3FBA]  }
0x3d: {  	_ =	shalt  }
0x3e: {  	_ =	shalt  }
0x3f: {  	_ =	shalt  }
0x40: {  	_ =	shalt  }
0x41: {  	_ =	shalt  }
0x42: {  	_ =	shalt  }
0x43: {  	_ =	shalt  }
0x44: {  	_ =	shalt  }
0x45: {  	_ =	shalt  }
0x46: {  	_ =	shalt  }
0x47: {  	_ =	shalt  }
0x48: {  	_ =	shalt  }
0x49: {  	_ =	shalt  }
0x4a: {  	_ =	shalt  }
0x4b: {  	_ =	shalt  }
0x4c: {  	_ =	shalt  }
0x4d: {  	_ =	shalt  }
0x4e: {  	_ =	shalt  }
0x4f: {  	_ =	shalt  }
0x50: {  	_ =	shalt  }
0x51: {  	_ =	shalt  }
0x52: {  	_ =	shalt  }
0x53: {  	_ =	shalt  }
0x54: {  	_ =	shalt  }
0x55: {  	_ =	shalt  }
0x56: {  	_ =	shalt  }
0x57: {  	_ =	shalt  }
0x58: {  	_ =	shalt  }
0x59: {  	_ =	shalt  }
0x5a: {  	_ =	shalt  }
0x5b: {  	_ =	shalt  }
0x5c: {  	_ =	shalt  }
0x5d: {  	_ =	shalt  }
0x5e: {  	_ =	shalt  }
0x5f: {  	_ =	shalt  }
0x60: {  	_ =	shalt  }
0x61: {  	_ =	shalt  }
0x62: {  	_ =	shalt  }
0x63: {  	_ =	shalt  }
0x64: {  	_ =	shalt  }
0x65: {  	_ =	shalt  }
0x66: {  	_ =	shalt  }
0x67: {  	_ =	shalt  }
0x68: {  	_ =	shalt  }
0x69: {  	_ =	shalt  }
0x6a: {  	_ =	shalt  }
0x6b: {  	_ =	shalt  }
0x6c: {  	_ =	shalt  }
0x6d: {  	_ =	shalt  }
0x6e: {  	_ =	shalt  }
0x6f: {  	_ =	shalt  }
0x70: {  	_ =	shalt  }
0x71: {  	_ =	shalt  }
0x72: {  	_ =	shalt  }
0x73: {  	_ =	shalt  }
0x74: {  	_ =	shalt  }
0x75: {  	_ =	shalt  }
0x76: {  	_ =	shalt  }
0x77: {  	_ =	shalt  }
0x78: {  	_ =	shalt  }
0x79: {  	_ =	shalt  }
0x7a: {  	_ =	shalt  }
0x7b: {  	_ =	shalt  }
0x7c: {  	_ =	shalt  }
0x7d: {  	_ =	shalt  }
0x7e: {  	_ =	shalt  }
0x7f: {  	_ =	shalt  }
0x80: {  	_ =	shalt  }
0x81: {  	_ =	shalt  }
0x82: {  	_ =	shalt  }
0x83: {  	_ =	shalt  }
0x84: {  	_ =	shalt  }
0x85: {  	_ =	shalt  }
0x86: {  	_ =	shalt  }
0x87: {  	_ =	shalt  }
.Lfunc_end0:
.L_simem_size_0:
called_computation_lowered:
.L_overlay_start_0:
0x88: {  	s2 =	sld [smem:$0x3FD9]  }
0x89: {  	s3 =	sld [smem:$0x3FFE];
	_ =	sdelay $0x1  }
0x8a: {  	s1 =	srdreg.scid  }
0x8b: {  	s0 =	sand.u32 $0x1, s1  }
0x8c: {  	s17 =	sshll.u32 s0, $0xA;
	s2 =	sadd.s32 s3, s2  }
0x8d: {  	s2 =	sadd.s32 s2, s17  }
0x8e: {  	[smem:$0x3FC6] =	sst s2  }
0x8f: {  	_ = 	snop  }
0x90: {  	s2 =	sld [smem:$0x3FC9]  }
0x91: {  	s18 =	sld [smem:$0x3FD0];
	(tm) =	ssettm $0x1  }
0x92: {  	s4 =	sld [smem:$0x3FFB];
	_ =	sdelay $0x3  }
0x93: {  	_ =	strace s4  }
0x94: {  	s4 =	sld [smem:$0x3FFC];
	_ =	sdelay $0x3  }
0x95: {  	_ =	strace s4  }
0x96: {  	s4 =	sld [smem:$0x3FFD];
	_ =	sdelay $0x3  }
0x97: {  	_ =	strace s4  }
0x98: {  	_ =	strace $0x8FFFFFFF  }
0x99: {  	s19 =	sld [smem:$0x3FDB];
	_ =	sdelay $0x1  }
0x9a: {  	s5 =	simm.s32 $_scs_section_size  }
0x9b: {  	s6 =	simm.s32 $_size__tile_overlayer_lowered;
	s7 =	simm.s32 $_tile_overlayer_lowered  }
0x9c: {  	s22 =	simm.s32 $0x1BFF;
	s21 =	sshll.u32 s7, $0x1;
	s4 =	sadd.s32 s5, s19  }
0x9d: {  	s8 =	simm.s32 $0x0;
	s20 =	sshll.u32 s6, $0x1;
	s6 =	sadd.s32 s21, s4  }
0x9e: {  	[timem:s8], [sflag:s22] =	dma.local [hbm:s6], s20  }
0x9f: {  	_ =	swait.ge [sflag:s22], s20  }
0xa0: {  	s5 =	ssub.s32 $0x0, s20;
	[sflag:s22] =	ssyncset.done $0x0  }
0xa1: {  	[sflag:s22] =	ssyncadd.s32 s5;
	_ =	sdelay $0x1  }
0xa2: {  	s23 =	simm.s32 $0x1B8B  }
0xa3: {  	_ =	swait.ge [sflag:s23], $0x1  }
0xa4: {  	[sflag:s23] =	ssyncset.done $0x0  }
0xa5: {  	s25 =	simm.s32 $0x1B8E;
	s24 =	sld [smem:$0x3FFE];
	[sflag:s23] =	ssyncadd.s32 $0xFFFFFFFF  }
0xa6: {  	s26 =	simm.s32 $execute0_lowered;
	[smem:$0x3FD2] =	sst s25  }
0xa7: {  	s6 =	sshll.u32 s26, $0x1;
	_ =	strace $0x80000046;
	[dreg:$0x1] =	wrdreg $0xFFFFFFFF  }
0xa8: {  	s28 =	simm.s32 $_size_execute0_lowered;
	s4 =	sadd.s32 s4, s6;
	[dreg:$0x0] =	wrdreg $0x0  }
0xa9: {  	s6 =	sshll.u32 s28, $0x1;
	[dreg:$0x2] =	wrdreg s4  }
0xaa: {  	[dreg:$0x3] =	wrdreg s6  }
0xab: {  	[dreg:$0x4] =	wrdreg $0xC0  }
0xac: {  	_ =	task [dreg:s8], $0x5FFFF  }
0xad: {  	[dreg:$0x1] =	wrdreg $0xFFFFFFFF  }
0xae: {  	[dreg:$0x0] =	wrdreg $0x60  }
0xaf: {  	[dreg:$0x2] =	wrdreg s2  }
0xb0: {  	[dreg:$0x3] =	wrdreg s24  }
0xb1: {  	[dreg:$0x4] =	wrdreg s18  }
0xb2: {  	[dreg:$0x5] =	wrdreg $0x1C0000  }
0xb3: {  	[dreg:$0x6] =	wrdreg $0x9  }
0xb4: {  	_ =	task.clear_ibuf [dreg:s8], $0x7FFFF;
	_ =	strace $0x90000046  }
0xb5: {  	s29 =	simm.s32 $0x9;
	_ =	strace $0x80000048  }
0xb6: {  	_ =	swait.ge [sflag:s29], $0x1  }
0xb7: {  	[sflag:s29] =	ssyncadd.s32 $0xFFFFFFFF  }
0xb8: {  	_ =	strace $0x90000048  }
0xb9: {  	_ =	sfence  }
0xba: {  	s30 =	sld [smem:$0x0];
	_ =	sdelay $0x2  }
0xbb: {  	s31 =	sshll.u32 s1, $0xD;
	s1 =	sshrl.u32 s1, $0x2  }
0xbc: {  	s3 =	sand.u32 $0x4000, s31;
	s1 =	sadd.s32 s1, s30  }
0xbd: {  	s0 =	sor.u32 s3, s0;
	s1 =	sshll.u32 s1, $0x11  }
0xbe: {  	s0 =	sor.u32 s1, s0  }
0xbf: {  	s0 =	sadd.s32 $0x8F2B, s0  }
0xc0: {  	[sflag:s0] =	ssyncadd.remote.s32 $0x1  }
0xc1: {  	_ =	sfence.sel $0xFFFF  }
0xc2: {  	[dreg:$0x0] =	wrdreg $0xFFFFFFFF;
	(pc) =	sbr.abs _section_cstart, $3  }
0xc3: {  	[dreg:$0x1] =	wrdreg $0xFFFFFFFF  }
0xc4: {  	_ =	task.clear_ibuf [dreg:s8], $0x2FFFF;
	_ =	strace $0x9FFFFFFF  }
0xc5: {  	(tm) =	ssettm $0x7FFFFFFF  }
tec
execute0_lowered:
.L_overlay_start_1:
0x0: {  	(tag) =	ssettag $0x1  }
0x1: {  	s10 =	rddreg [dreg:$0x0]  }
0x2: {  	s0 =	rddreg [dreg:$0x1]  }
0x3: {  	s1 =	rddreg [dreg:$0x2]  }
0x4: {  	s2 =	rddreg [dreg:$0x3]  }
0x5: {  	s3 =	srdreg.scid;
	s4 =	stileid.u32  }
0x6: {  	s12 =	simm.s32 $0x1;
	s14 =	simm.s32 $0x1C02;
	s15 =	simm.s32 $0x4000  }
0x7: {  	s16 =	simm.s32 $0x6;
	s17 =	simm.s32 $0x2000;
	s18 =	simm.s32 $0x100  }
0x8: {  	s19 =	simm.s32 $0x400;
	s20 =	simm.s32 $0x14000;
	s22 =	simm.s32 $0x1C01  }
0x9: {  	s23 =	simm.s32 $0x8000;
	s24 =	simm.s32 $0xC000;
	s25 =	simm.s32 $0x5  }
0xa: {  	s26 =	simm.s32 $0x3;
	s28 =	simm.s32 $0x0;
	s5 =	sand.u32 $0x1, s3  }
0xb: {  	s3 =	simm.s32 $0x0;
	s6 =	sshll.u32 s4, $0x2;
	s29 =	sshll.u32 s4, $0x13  }
0xc: {  	p0 =	sne.s32 s4, $0x0;
	p1 =	seq.s32 s4, $0x0;
	s21 =	sshrl.u32 s2, $0x3  }
0xd: {  	s7 =	sshll.u32 s5, $0x1;
	[smem:$0x7FF] =	sst s3;
	s5 =	ssub.s32 $0x2, s5  }
0xe: {  	s30 =	sand.u32 $0x700000, s29;
	s11 =	sshrl.u32 @!p0 s2, $0x3;
	s6 =	sor.u32 s7, s6  }
0xf: {  	_ =	strace $0x80000047;
	s8 =	sshrl.u32 s5, $0x1;
	s7 =	sshll.u32 s6, $0xA  }
.Ltmp0:
0x10: {  	s9 =	ssub.s32 s5, s8;
	s6 =	sshll.u32 s6, $0x4;
	(pc) =	sbr.rel .LBB2_1-.Ltmp0, $4  }
0x11: {  	s5 =	sadd.s32 $0x4000, s2;
	s8 =	sadd.s32 $0x1000, s10;
	s0 =	sadd.s32 s7, s0  }
0x12: {  	s31 =	sand.u32 $0x60, s6;
	s6 =	sadd.s32 $0x800, s10;
	s0 =	sadd.s32 $0x400, s0  }
0x13: {  	s9 =	smax.u32 s9, $0x1;
	[dreg:$0x5] =	wrdreg s0;
	s0 =	sadd.s32 s1, s30  }
0x14: {  	s10 =	simm.s32 $0x7;
	s13 =	sshrl.u32 s5, $0x3;
	s7 =	sadd.s32 s31, s0  }
.LBB2_18:
0x15: {  	s28 =	sadd.s32 $0x1, s28  }
0x16: {  	_ =	swait.ge [sflag:s25], $0x8000;
	p2 =	sne.s32 s28, s9  }
.Ltmp1:
0x17: {  	[sflag:s25] =	ssyncset.done $0x0;
	(pc) =	sbr.rel @!p2 .LBB2_19-.Ltmp1, $4  }
0x18: {  	[sflag:s25] =	ssyncadd.s32 $0xFFFF8000  }
0x19: {  	_ =	swait.ge [sflag:s16], $0x8000  }
0x1a: {  	[sflag:s16] =	ssyncset.done $0x0  }
0x1b: {  	[sflag:s16] =	ssyncadd.s32 $0xFFFF8000  }
.LBB2_1:
0x1c: {  	s0 =	rddreg [dreg:$0x5]  }
0x1d: {  	[tilespmem:s3], [sflag:$0x7] =	stream.linear.gather [hbm4b:s0+s3], $0x4000, $0x38;
	[tilespmem:$0x1C800] =	vst v63  }
0x1e: {  	_ =	swait.ge [sflag:s10], $0x4000  }
0x1f: {  	[sflag:s10] =	ssyncset.done $0x0  }
0x20: {  	[sflag:s10] =	ssyncadd.s32 $0xFFFFC000  }
0x21: {  	s29 =	simm.s32 $0x0;
	s0 =	simm.s32 @!p0 $0x1C01;
	s1 =	rddreg [dreg:$0x0]  }
0x22: {  	[spmem:s11], [sflag:s0] =	dma.local @!p0 [hbm:s1], $0x800  }
.LBB2_2:
0x23: {  	p2 =	sne.s32 s29, $0x20  }
0x24: {  	s0 =	sshll.u32 s29, $0x1;
	p2 =	por !p1, !p2  }
0x25: {  	s30 =	sadd.s32 $0xFFFFFFFF, s0;
	p2 =	por !p2, !p2  }
.Ltmp2:
0x26: {  	p3 =	sgt.u32 s30, $0x3F;
	(pc) =	sbr.rel @!p2 .LBB2_4-.Ltmp2, $4  }
0x27: {  	s0 =	simm.s32 @!p3 $0x4  }
0x28: {  	_ =	swait.ge @!p3 [sflag:s0], $0x4000  }
0x29: {  	[sflag:s0] =	ssyncset.done @!p3 $0x0  }
0x2a: {  	[sflag:s0] =	ssyncadd.s32 @!p3 $0xFFFFC000  }
.Ltmp3:
0x2b: {  	_ =	swait.ge [sflag:s12], $0x800;
	(pc) =	sbr.rel .LBB2_5-.Ltmp3, $4  }
0x2c: {  	[sflag:s12] =	ssyncset.done $0x0  }
0x2d: {  	s0 =	sshll.u32 s29, $0xC;
	[sflag:s12] =	ssyncadd.s32 $0xFFFFF800  }
0x2e: {  	s0 =	sadd.s32 s0, s6;
	[bflag:$0x0] =	sbarrier.arrive $0xFFFF  }
0x2f: {  	[spmem:s13], [sflag:s14] =	dma.local [hbm:s0], $0x800  }
.LBB2_4:
0x30: {  	p4 =	seq.s32 s29, $0x20  }
.Ltmp4:
0x31: {  	_ = 	snop;
	(pc) =	sbr.rel @p4 .LBB2_7-.Ltmp4, $2  }
0x32: {  	_ =	sdelay $0x1  }
0x33: {  	[bflag:$0x0] =	sbarrier.arrive $0xFFFF;
	_ =	sdelay $0x1  }
.LBB2_5:
.Ltmp5:
0x34: {  	(pc) =	sbr.rel @p3 .LBB2_11-.Ltmp5, $2  }
0x35: {  	_ =	sdelay $0x2  }
0x36: {  	[tilespmem:s15], [sflag:$0x3] =	stream.linear.gather [spmem:s2], $0x4000, $0x38;
	[tilespmem:$0x1C800] =	vst v63  }
0x37: {  	p3 =	slt.u32 s29, $0x2  }
.Ltmp6:
0x38: {  	_ = 	snop;
	(pc) =	sbr.rel @p3 .LBB2_8-.Ltmp6, $1  }
0x39: {  	_ =	sdelay $0x3  }
.LBB2_7:
0x3a: {  	_ =	swait.ge [sflag:s16], $0x8000  }
0x3b: {  	[sflag:s16] =	ssyncset.done $0x0  }
0x3c: {  	[sflag:s16] =	ssyncadd.s32 $0xFFFF8000  }
.LBB2_8:
0x3d: {  	s0 =	simm.s32 $0x83F0  }
0x3e: {  	v0 =	vld [tilespmem:s0+$0xFFFFFF90]  }
0x3f: {  	v1 =	vld [tilespmem:s0+$0xFFFFFC90]  }
0x40: {  	v2 =	vld [tilespmem:s0+$0xFFFFFD10]  }
0x41: {  	v3 =	vld [tilespmem:s0+$0xFFFFFD90]  }
0x42: {  	v4 =	vld [tilespmem:s0+$0xFFFFFE10]  }
0x43: {  	v5 =	vld [tilespmem:s0+$0xFFFFFE90]  }
0x44: {  	v6 =	vld [tilespmem:s0+$0xFFFFFF10]  }
0x45: {  	v7 =	vld [tilespmem:s0+$0xFFFFFC10]  }
0x46: {  	v8 =	vld.idx.msk [tilespmem:v0+s3+$0x0], $0xffff  }
0x47: {  	v9 =	vld.idx.msk [tilespmem:v1+s3+$0x0], $0xffff  }
0x48: {  	v10 =	vld.idx.msk [tilespmem:v2+s3+$0x0], $0xffff  }
0x49: {  	v11 =	vld.idx.msk [tilespmem:v3+s3+$0x0], $0xffff  }
0x4a: {  	v12 =	vld.idx.msk [tilespmem:v4+s3+$0x0], $0xffff  }
0x4b: {  	s31 =	simm.s32 $0x147F0;
	v13 =	vld.idx.msk [tilespmem:v5+s3+$0x0], $0xffff  }
0x4c: {  	v14 =	vld.idx.msk [tilespmem:v6+s3+$0x0], $0xffff;
	[tilespmem:s31+$0xFFFFFF10] =	vst v8  }
0x4d: {  	[tilespmem:s31+$0xFFFFF910] =	vst v9;
	v8 =	vld.idx.msk [tilespmem:v7+s3+$0x0], $0xffff  }
0x4e: {  	[tilespmem:s31+$0xFFFFFA10] =	vst v10;
	v0 =	vld.idx.msk [tilespmem:v0+s17+$0x0], $0xffff  }
0x4f: {  	[tilespmem:s31+$0xFFFFFB10] =	vst v11;
	v1 =	vld.idx.msk [tilespmem:v1+s17+$0x0], $0xffff  }
0x50: {  	[tilespmem:s31+$0xFFFFFC10] =	vst v12;
	v2 =	vld.idx.msk [tilespmem:v2+s17+$0x0], $0xffff  }
0x51: {  	[tilespmem:s31+$0xFFFFFD10] =	vst v13;
	v3 =	vld.idx.msk [tilespmem:v3+s17+$0x0], $0xffff  }
0x52: {  	[tilespmem:s31+$0xFFFFFE10] =	vst v14;
	v4 =	vld.idx.msk [tilespmem:v4+s17+$0x0], $0xffff  }
0x53: {  	v5 =	vld.idx.msk [tilespmem:v5+s17+$0x0], $0xffff;
	[tilespmem:s31+$0xFFFFF810] =	vst v8  }
0x54: {  	[tilespmem:s31+$0xFFFFFF90] =	vst v0;
	v7 =	vld.idx.msk [tilespmem:v7+s17+$0x0], $0xffff  }
0x55: {  	[tilespmem:s31+$0xFFFFF990] =	vst v1;
	v1 =	vld.idx.msk [tilespmem:v6+s17+$0x0], $0xffff  }
0x56: {  	[tilespmem:s31+$0xFFFFFA90] =	vst v2;
	v0 =	vld [tilespmem:s0+$0xFFFFFFA0]  }
0x57: {  	[tilespmem:s31+$0xFFFFFB90] =	vst v3;
	v2 =	vld [tilespmem:s0+$0xFFFFFCA0]  }
0x58: {  	[tilespmem:s31+$0xFFFFFC90] =	vst v4;
	v3 =	vld [tilespmem:s0+$0xFFFFFD20]  }
0x59: {  	[tilespmem:s31+$0xFFFFFD90] =	vst v5;
	v4 =	vld [tilespmem:s0+$0xFFFFFDA0]  }
0x5a: {  	v5 =	vld [tilespmem:s0+$0xFFFFFE20];
	[tilespmem:s31+$0xFFFFF890] =	vst v7  }
0x5b: {  	[tilespmem:s31+$0xFFFFFE90] =	vst v1;
	v1 =	vld [tilespmem:s0+$0xFFFFFC20]  }
0x5c: {  	v6 =	vld [tilespmem:s0+$0xFFFFFEA0]  }
0x5d: {  	v8 =	vld [tilespmem:s0+$0xFFFFFF20]  }
0x5e: {  	v7 =	vld.idx.msk [tilespmem:v0+s3+$0x0], $0xffff  }
0x5f: {  	v9 =	vld.idx.msk [tilespmem:v2+s3+$0x0], $0xffff  }
0x60: {  	v10 =	vld.idx.msk [tilespmem:v3+s3+$0x0], $0xffff  }
0x61: {  	v11 =	vld.idx.msk [tilespmem:v4+s3+$0x0], $0xffff  }
0x62: {  	v12 =	vld.idx.msk [tilespmem:v5+s3+$0x0], $0xffff  }
0x63: {  	[tilespmem:s31+$0xFFFFFF20] =	vst v7;
	v47 =	vld.idx.msk [tilespmem:v1+s3+$0x0], $0xffff  }
0x64: {  	v7 =	vld.idx.msk [tilespmem:v6+s3+$0x0], $0xffff;
	[tilespmem:s31+$0xFFFFF920] =	vst v9  }
0x65: {  	v48 =	vld.idx.msk [tilespmem:v8+s3+$0x0], $0xffff;
	[tilespmem:s31+$0xFFFFFA20] =	vst v10  }
0x66: {  	[tilespmem:s31+$0xFFFFFB20] =	vst v11;
	v0 =	vld.idx.msk [tilespmem:v0+s17+$0x0], $0xffff  }
0x67: {  	[tilespmem:s31+$0xFFFFFC20] =	vst v12;
	v2 =	vld.idx.msk [tilespmem:v2+s17+$0x0], $0xffff  }
0x68: {  	v3 =	vld.idx.msk [tilespmem:v3+s17+$0x0], $0xffff;
	[tilespmem:s31+$0xFFFFF820] =	vst v47  }
0x69: {  	v4 =	vld.idx.msk [tilespmem:v4+s17+$0x0], $0xffff;
	[tilespmem:s31+$0xFFFFFD20] =	vst v7  }
0x6a: {  	v5 =	vld.idx.msk [tilespmem:v5+s17+$0x0], $0xffff;
	[tilespmem:s31+$0xFFFFFE20] =	vst v48  }
0x6b: {  	[tilespmem:s31+$0xFFFFFFA0] =	vst v0;
	v1 =	vld.idx.msk [tilespmem:v1+s17+$0x0], $0xffff  }
0x6c: {  	v6 =	vld.idx.msk [tilespmem:v6+s17+$0x0], $0xffff;
	[tilespmem:s31+$0xFFFFF9A0] =	vst v2  }
0x6d: {  	v2 =	vld.idx.msk [tilespmem:v8+s17+$0x0], $0xffff;
	[tilespmem:s31+$0xFFFFFAA0] =	vst v3  }
0x6e: {  	[tilespmem:s31+$0xFFFFFBA0] =	vst v4;
	v0 =	vld [tilespmem:s0+$0xFFFFFFB0]  }
0x6f: {  	[tilespmem:s31+$0xFFFFFCA0] =	vst v5;
	v3 =	vld [tilespmem:s0+$0xFFFFFCB0]  }
0x70: {  	v4 =	vld [tilespmem:s0+$0xFFFFFD30];
	[tilespmem:s31+$0xFFFFF8A0] =	vst v1  }
0x71: {  	[tilespmem:s31+$0xFFFFFDA0] =	vst v6;
	v6 =	vld [tilespmem:s0+$0xFFFFFE30]  }
0x72: {  	v5 =	vld [tilespmem:s0+$0xFFFFFC30]  }
0x73: {  	v7 =	vld [tilespmem:s0+$0xFFFFFDB0]  }
0x74: {  	[tilespmem:s31+$0xFFFFFEA0] =	vst v2;
	v2 =	vld [tilespmem:s0+$0xFFFFFEB0]  }
0x75: {  	v8 =	vld [tilespmem:s0+$0xFFFFFF30]  }
0x76: {  	v1 =	vld.idx.msk [tilespmem:v0+s3+$0x0], $0xffff  }
0x77: {  	v49 =	vld.idx.msk [tilespmem:v3+s3+$0x0], $0xffff  }
0x78: {  	v10 =	vld.idx.msk [tilespmem:v4+s3+$0x0], $0xffff  }
0x79: {  	v12 =	vld.idx.msk [tilespmem:v6+s3+$0x0], $0xffff  }
0x7a: {  	v50 =	vld.idx.msk [tilespmem:v5+s3+$0x0], $0xffff  }
0x7b: {  	[tilespmem:s31+$0xFFFFFF30] =	vst v1;
	v1 =	vld.idx.msk [tilespmem:v7+s3+$0x0], $0xffff  }
0x7c: {  	v51 =	vld.idx.msk [tilespmem:v2+s3+$0x0], $0xffff;
	[tilespmem:s31+$0xFFFFF930] =	vst v49  }
0x7d: {  	v52 =	vld.idx.msk [tilespmem:v8+s3+$0x0], $0xffff;
	[tilespmem:s31+$0xFFFFFA30] =	vst v10  }
0x7e: {  	v0 =	vld.idx.msk [tilespmem:v0+s17+$0x0], $0xffff;
	[tilespmem:s31+$0xFFFFFC30] =	vst v12  }
0x7f: {  	v3 =	vld.idx.msk [tilespmem:v3+s17+$0x0], $0xffff;
	[tilespmem:s31+$0xFFFFF830] =	vst v50  }
0x80: {  	v4 =	vld.idx.msk [tilespmem:v4+s17+$0x0], $0xffff;
	[tilespmem:s31+$0xFFFFFB30] =	vst v1  }
0x81: {  	[tilespmem:s31+$0xFFFFFD30] =	vst v51;
	v6 =	vld.idx.msk [tilespmem:v6+s17+$0x0], $0xffff  }
0x82: {  	[tilespmem:s31+$0xFFFFFE30] =	vst v52;
	v1 =	vld.idx.msk [tilespmem:v5+s17+$0x0], $0xffff  }
0x83: {  	[tilespmem:s31+$0xFFFFFFB0] =	vst v0;
	v5 =	vld.idx.msk [tilespmem:v7+s17+$0x0], $0xffff  }
0x84: {  	v2 =	vld.idx.msk [tilespmem:v2+s17+$0x0], $0xffff;
	[tilespmem:s31+$0xFFFFF9B0] =	vst v3  }
0x85: {  	v3 =	vld.idx.msk [tilespmem:v8+s17+$0x0], $0xffff;
	[tilespmem:s31+$0xFFFFFAB0] =	vst v4  }
0x86: {  	v0 =	vld [tilespmem:s0+$0xFFFFFFC0];
	[tilespmem:s31+$0xFFFFFCB0] =	vst v6  }
0x87: {  	v7 =	vld [tilespmem:s0+$0xFFFFFCC0];
	[tilespmem:s31+$0xFFFFF8B0] =	vst v1  }
0x88: {  	[tilespmem:s31+$0xFFFFFBB0] =	vst v5;
	v5 =	vld [tilespmem:s0+$0xFFFFFD40]  }
0x89: {  	[tilespmem:s31+$0xFFFFFDB0] =	vst v2;
	v2 =	vld [tilespmem:s0+$0xFFFFFE40]  }
0x8a: {  	v4 =	vld [tilespmem:s0+$0xFFFFFC40]  }
0x8b: {  	v6 =	vld [tilespmem:s0+$0xFFFFFDC0]  }
0x8c: {  	[tilespmem:s31+$0xFFFFFEB0] =	vst v3;
	v3 =	vld [tilespmem:s0+$0xFFFFFEC0]  }
0x8d: {  	v8 =	vld [tilespmem:s0+$0xFFFFFF40]  }
0x8e: {  	v1 =	vld.idx.msk [tilespmem:v0+s3+$0x0], $0xffff;
	_ =	sdelay $0x1  }
0x8f: {  	v10 =	vld.idx.msk [tilespmem:v5+s3+$0x0], $0xffff  }
0x90: {  	v12 =	vld.idx.msk [tilespmem:v2+s3+$0x0], $0xffff  }
0x91: {  	v53 =	vld.idx.msk [tilespmem:v4+s3+$0x0], $0xffff  }
0x92: {  	[tilespmem:s31+$0xFFFFFF40] =	vst v1;
	v1 =	vld.idx.msk [tilespmem:v7+s3+$0x0], $0xffff  }
0x93: {  	v54 =	vld.idx.msk [tilespmem:v6+s3+$0x0], $0xffff  }
0x94: {  	v13 =	vld.idx.msk [tilespmem:v3+s3+$0x0], $0xffff;
	[tilespmem:s31+$0xFFFFFA40] =	vst v10  }
0x95: {  	v55 =	vld.idx.msk [tilespmem:v8+s3+$0x0], $0xffff;
	[tilespmem:s31+$0xFFFFFC40] =	vst v12  }
0x96: {  	v0 =	vld.idx.msk [tilespmem:v0+s17+$0x0], $0xffff;
	[tilespmem:s31+$0xFFFFF840] =	vst v53  }
0x97: {  	[tilespmem:s31+$0xFFFFF940] =	vst v1;
	v5 =	vld.idx.msk [tilespmem:v5+s17+$0x0], $0xffff  }
0x98: {  	[tilespmem:s31+$0xFFFFFB40] =	vst v54;
	v2 =	vld.idx.msk [tilespmem:v2+s17+$0x0], $0xffff  }
0x99: {  	[tilespmem:s31+$0xFFFFFD40] =	vst v13;
	v1 =	vld.idx.msk [tilespmem:v4+s17+$0x0], $0xffff  }
0x9a: {  	[tilespmem:s31+$0xFFFFFE40] =	vst v55;
	v6 =	vld.idx.msk [tilespmem:v6+s17+$0x0], $0xffff  }
0x9b: {  	[tilespmem:s31+$0xFFFFFFC0] =	vst v0;
	v4 =	vld.idx.msk [tilespmem:v7+s17+$0x0], $0xffff  }
0x9c: {  	v0 =	vld [tilespmem:s0+$0xFFFFFFD0];
	[tilespmem:s31+$0xFFFFFAC0] =	vst v5  }
0x9d: {  	v3 =	vld.idx.msk [tilespmem:v3+s17+$0x0], $0xffff;
	[tilespmem:s31+$0xFFFFFCC0] =	vst v2  }
0x9e: {  	[tilespmem:s31+$0xFFFFF8C0] =	vst v1;
	v1 =	vld.idx.msk [tilespmem:v8+s17+$0x0], $0xffff  }
0x9f: {  	[tilespmem:s31+$0xFFFFFBC0] =	vst v6;
	v6 =	vld [tilespmem:s0+$0xFFFFFD50]  }
0xa0: {  	v8 =	vld [tilespmem:s0+$0xFFFFFE50]  }
0xa1: {  	[tilespmem:s31+$0xFFFFF9C0] =	vst v4;
	v4 =	vld [tilespmem:s0+$0xFFFFFC50]  }
0xa2: {  	v5 =	vld [tilespmem:s0+$0xFFFFFCD0]  }
0xa3: {  	v2 =	vld [tilespmem:s0+$0xFFFFFDD0]  }
0xa4: {  	[tilespmem:s31+$0xFFFFFDC0] =	vst v3;
	v7 =	vld.idx.msk [tilespmem:v0+s3+$0x0], $0xffff  }
0xa5: {  	[tilespmem:s31+$0xFFFFFEC0] =	vst v1;
	v1 =	vld [tilespmem:s0+$0xFFFFFED0]  }
0xa6: {  	v3 =	vld [tilespmem:s0+$0xFFFFFF50]  }
0xa7: {  	v10 =	vld.idx.msk [tilespmem:v6+s3+$0x0], $0xffff  }
0xa8: {  	v12 =	vld.idx.msk [tilespmem:v8+s3+$0x0], $0xffff  }
0xa9: {  	[tilespmem:s31+$0xFFFFFF50] =	vst v7;
	v7 =	vld.idx.msk [tilespmem:v4+s3+$0x0], $0xffff  }
0xaa: {  	v56 =	vld.idx.msk [tilespmem:v5+s3+$0x0], $0xffff  }
0xab: {  	v11 =	vld.idx.msk [tilespmem:v2+s3+$0x0], $0xffff  }
0xac: {  	v0 =	vld.idx.msk [tilespmem:v0+s17+$0x0], $0xffff  }
0xad: {  	v13 =	vld.idx.msk [tilespmem:v1+s3+$0x0], $0xffff;
	[tilespmem:s31+$0xFFFFFA50] =	vst v10  }
0xae: {  	[tilespmem:s31+$0xFFFFF850] =	vst v7;
	v7 =	vld.idx.msk [tilespmem:v3+s3+$0x0], $0xffff  }
0xaf: {  	[tilespmem:s31+$0xFFFFFC50] =	vst v12;
	v6 =	vld.idx.msk [tilespmem:v6+s17+$0x0], $0xffff  }
0xb0: {  	v8 =	vld.idx.msk [tilespmem:v8+s17+$0x0], $0xffff  }
0xb1: {  	[tilespmem:s31+$0xFFFFF950] =	vst v56;
	v4 =	vld.idx.msk [tilespmem:v4+s17+$0x0], $0xffff  }
0xb2: {  	[tilespmem:s31+$0xFFFFFFD0] =	vst v0;
	v5 =	vld.idx.msk [tilespmem:v5+s17+$0x0], $0xffff  }
0xb3: {  	[tilespmem:s31+$0xFFFFFB50] =	vst v11;
	v0 =	vld [tilespmem:s0+$0xFFFFFFE0]  }
0xb4: {  	v2 =	vld.idx.msk [tilespmem:v2+s17+$0x0], $0xffff;
	[tilespmem:s31+$0xFFFFFD50] =	vst v13  }
0xb5: {  	[tilespmem:s31+$0xFFFFFE50] =	vst v7;
	v1 =	vld.idx.msk [tilespmem:v1+s17+$0x0], $0xffff  }
0xb6: {  	[tilespmem:s31+$0xFFFFFAD0] =	vst v6;
	v3 =	vld.idx.msk [tilespmem:v3+s17+$0x0], $0xffff  }
0xb7: {  	[tilespmem:s31+$0xFFFFF8D0] =	vst v4;
	v6 =	vld [tilespmem:s0+$0xFFFFFD60]  }
0xb8: {  	[tilespmem:s31+$0xFFFFF9D0] =	vst v5;
	v4 =	vld [tilespmem:s0+$0xFFFFFC60]  }
0xb9: {  	[tilespmem:s31+$0xFFFFFBD0] =	vst v2;
	v5 =	vld [tilespmem:s0+$0xFFFFFCE0]  }
0xba: {  	v2 =	vld [tilespmem:s0+$0xFFFFFDE0]  }
0xbb: {  	[tilespmem:s31+$0xFFFFFCD0] =	vst v8;
	v57 =	vld.idx.msk [tilespmem:v0+s3+$0x0], $0xffff  }
0xbc: {  	[tilespmem:s31+$0xFFFFFDD0] =	vst v1;
	v1 =	vld [tilespmem:s0+$0xFFFFFE60]  }
0xbd: {  	[tilespmem:s31+$0xFFFFFED0] =	vst v3;
	v3 =	vld [tilespmem:s0+$0xFFFFFEE0]  }
0xbe: {  	v7 =	vld [tilespmem:s0+$0xFFFFFF60]  }
0xbf: {  	v10 =	vld.idx.msk [tilespmem:v6+s3+$0x0], $0xffff  }
0xc0: {  	v8 =	vld.idx.msk [tilespmem:v4+s3+$0x0], $0xffff  }
0xc1: {  	v58 =	vld.idx.msk [tilespmem:v5+s3+$0x0], $0xffff  }
0xc2: {  	[tilespmem:s31+$0xFFFFFF60] =	vst v57;
	v11 =	vld.idx.msk [tilespmem:v2+s3+$0x0], $0xffff  }
0xc3: {  	v0 =	vld.idx.msk [tilespmem:v0+s17+$0x0], $0xffff  }
0xc4: {  	v12 =	vld.idx.msk [tilespmem:v1+s3+$0x0], $0xffff  }
0xc5: {  	v13 =	vld.idx.msk [tilespmem:v3+s3+$0x0], $0xffff;
	[tilespmem:s31+$0xFFFFFA60] =	vst v10  }
0xc6: {  	[tilespmem:s31+$0xFFFFF860] =	vst v8;
	v8 =	vld.idx.msk [tilespmem:v7+s3+$0x0], $0xffff  }
0xc7: {  	[tilespmem:s31+$0xFFFFF960] =	vst v58;
	v6 =	vld.idx.msk [tilespmem:v6+s17+$0x0], $0xffff  }
0xc8: {  	[tilespmem:s31+$0xFFFFFB60] =	vst v11;
	v4 =	vld.idx.msk [tilespmem:v4+s17+$0x0], $0xffff  }
0xc9: {  	[tilespmem:s31+$0xFFFFFFE0] =	vst v0;
	v5 =	vld.idx.msk [tilespmem:v5+s17+$0x0], $0xffff  }
0xca: {  	v2 =	vld.idx.msk [tilespmem:v2+s17+$0x0], $0xffff;
	[tilespmem:s31+$0xFFFFFC60] =	vst v12  }
0xcb: {  	v0 =	vld [tilespmem:s0+$0xFFFFFFF0];
	[tilespmem:s31+$0xFFFFFD60] =	vst v13  }
0xcc: {  	[tilespmem:s31+$0xFFFFFE60] =	vst v8  }
0xcd: {  	v1 =	vld.idx.msk [tilespmem:v1+s17+$0x0], $0xffff;
	[tilespmem:s31+$0xFFFFFAE0] =	vst v6  }
0xce: {  	v3 =	vld.idx.msk [tilespmem:v3+s17+$0x0], $0xffff;
	[tilespmem:s31+$0xFFFFF8E0] =	vst v4  }
0xcf: {  	v4 =	vld.idx.msk [tilespmem:v7+s17+$0x0], $0xffff;
	[tilespmem:s31+$0xFFFFF9E0] =	vst v5  }
0xd0: {  	[tilespmem:s31+$0xFFFFFBE0] =	vst v2;
	v2 =	vld [tilespmem:s0+$0xFFFFFD70]  }
0xd1: {  	v5 =	vld [tilespmem:s0+$0xFFFFFCF0]  }
0xd2: {  	[tilespmem:s31+$0xFFFFFCE0] =	vst v1;
	v1 =	vld [tilespmem:s0+$0xFFFFFDF0]  }
0xd3: {  	v59 =	vld.idx.msk [tilespmem:v0+s3+$0x0], $0xffff  }
0xd4: {  	[tilespmem:s31+$0xFFFFFDE0] =	vst v3;
	v3 =	vld [tilespmem:s0+$0xFFFFFE70]  }
0xd5: {  	[tilespmem:s31+$0xFFFFFEE0] =	vst v4;
	v4 =	vld [tilespmem:s0+$0xFFFFFEF0]  }
0xd6: {  	v6 =	vld [tilespmem:s0+$0xFFFFFF70]  }
0xd7: {  	v7 =	vld [tilespmem:s0+$0xFFFFFC70]  }
0xd8: {  	v10 =	vld.idx.msk [tilespmem:v2+s3+$0x0], $0xffff  }
0xd9: {  	[tilespmem:s31+$0xFFFFFF70] =	vst v59;
	v60 =	vld.idx.msk [tilespmem:v5+s3+$0x0], $0xffff  }
0xda: {  	v0 =	vld.idx.msk [tilespmem:v0+s17+$0x0], $0xffff  }
0xdb: {  	v11 =	vld.idx.msk [tilespmem:v1+s3+$0x0], $0xffff  }
0xdc: {  	v12 =	vld.idx.msk [tilespmem:v3+s3+$0x0], $0xffff  }
0xdd: {  	v13 =	vld.idx.msk [tilespmem:v4+s3+$0x0], $0xffff  }
0xde: {  	[tilespmem:s31+$0xFFFFFA70] =	vst v10;
	v14 =	vld.idx.msk [tilespmem:v6+s3+$0x0], $0xffff  }
0xdf: {  	[tilespmem:s31+$0xFFFFFFF0] =	vst v0;
	v0 =	vld.idx.msk [tilespmem:v7+s3+$0x0], $0xffff  }
0xe0: {  	[tilespmem:s31+$0xFFFFF970] =	vst v60;
	v2 =	vld.idx.msk [tilespmem:v2+s17+$0x0], $0xffff  }
0xe1: {  	v5 =	vld.idx.msk [tilespmem:v5+s17+$0x0], $0xffff;
	[tilespmem:s31+$0xFFFFFB70] =	vst v11  }
0xe2: {  	v8 =	vld [tilespmem:s0+$0x0];
	[tilespmem:s31+$0xFFFFFC70] =	vst v12  }
0xe3: {  	v1 =	vld.idx.msk [tilespmem:v1+s17+$0x0], $0xffff;
	[tilespmem:s31+$0xFFFFFD70] =	vst v13  }
0xe4: {  	v3 =	vld.idx.msk [tilespmem:v3+s17+$0x0], $0xffff;
	[tilespmem:s31+$0xFFFFF870] =	vst v0  }
0xe5: {  	[tilespmem:s31+$0xFFFFFE70] =	vst v14;
	v7 =	vld.idx.msk [tilespmem:v7+s17+$0x0], $0xffff  }
0xe6: {  	v4 =	vld.idx.msk [tilespmem:v4+s17+$0x0], $0xffff;
	[tilespmem:s31+$0xFFFFFAF0] =	vst v2  }
0xe7: {  	v6 =	vld.idx.msk [tilespmem:v6+s17+$0x0], $0xffff;
	[tilespmem:s31+$0xFFFFF9F0] =	vst v5  }
0xe8: {  	v2 =	vld [tilespmem:s0+$0xFFFFFD00];
	[tilespmem:s31+$0xFFFFFBF0] =	vst v1  }
0xe9: {  	v61 =	vld [tilespmem:s0+$0xFFFFFE00]  }
0xea: {  	v0 =	vld.idx.msk [tilespmem:v8+s3+$0x0], $0xffff;
	[tilespmem:s31+$0xFFFFF8F0] =	vst v7  }
0xeb: {  	[tilespmem:s31+$0xFFFFFCF0] =	vst v3;
	v5 =	vld [tilespmem:s0+$0xFFFFFC80]  }
0xec: {  	v62 =	vld [tilespmem:s0+$0xFFFFFE80]  }
0xed: {  	[tilespmem:s31+$0xFFFFFDF0] =	vst v4;
	v7 =	vld [tilespmem:s0+$0xFFFFFD80]  }
0xee: {  	v63 =	vld [tilespmem:s0+$0xFFFFFF00];
	[tilespmem:s31+$0xFFFFFEF0] =	vst v6  }
0xef: {  	[tilespmem:s31+$0xFFFFFF80] =	vst v0;
	v0 =	vld [tilespmem:s0+$0xFFFFFF80]  }
0xf0: {  	v4 =	vld.idx.msk [tilespmem:v2+s3+$0x0], $0xffff  }
0xf1: {  	v1 =	vld.idx.msk [tilespmem:v8+s17+$0x0], $0xffff  }
0xf2: {  	v8 =	vld.idx.msk [tilespmem:v61+s3+$0x0], $0xffff  }
0xf3: {  	v3 =	vld.idx.msk [tilespmem:v5+s3+$0x0], $0xffff  }
0xf4: {  	v12 =	vld.idx.msk [tilespmem:v62+s3+$0x0], $0xffff  }
0xf5: {  	v6 =	vld.idx.msk [tilespmem:v7+s3+$0x0], $0xffff  }
0xf6: {  	v13 =	vld.idx.msk [tilespmem:v63+s3+$0x0], $0xffff;
	[tilespmem:s31+$0xFFFFF980] =	vst v4  }
0xf7: {  	[tilespmem:s31+$0x0] =	vst v1;
	v2 =	vld.idx.msk [tilespmem:v2+s17+$0x0], $0xffff  }
0xf8: {  	v14 =	vld.idx.msk [tilespmem:v0+s3+$0x0], $0xffff;
	[tilespmem:s31+$0xFFFFF880] =	vst v3  }
0xf9: {  	[tilespmem:s31+$0xFFFFFB80] =	vst v8;
	v1 =	vld.idx.msk [tilespmem:v5+s17+$0x0], $0xffff  }
0xfa: {  	v4 =	vld.idx.msk [tilespmem:v61+s17+$0x0], $0xffff;
	[tilespmem:s31+$0xFFFFFA80] =	vst v6  }
0xfb: {  	[tilespmem:s31+$0xFFFFFD80] =	vst v13;
	v3 =	vld.idx.msk [tilespmem:v7+s17+$0x0], $0xffff  }
0xfc: {  	[tilespmem:s31+$0xFFFFFC80] =	vst v12;
	v6 =	vld.idx.msk [tilespmem:v63+s17+$0x0], $0xffff  }
0xfd: {  	s1 =	simm.s32 $0x0;
	s4 =	simm.s32 $0x87F0;
	s0 =	simm.s32 $0x147F0;
	v5 =	vld.idx.msk [tilespmem:v62+s17+$0x0], $0xffff;
	[tilespmem:s31+$0xFFFFFE80] =	vst v14  }
.LBB2_9:
0xfe: {  	v7 =	vld [tilespmem:s4+$0xFFFFFF90];
	s1 =	sadd.s32 $0x8, s1;
	[tilespmem:s31+$0xFFFFF900] =	vst v1  }
0xff: {  	v1 =	vld [tilespmem:s4+$0xFFFFFC90];
	p3 =	slt.u32 s1, $0x78;
	[tilespmem:s31+$0xFFFFFA00] =	vst v2  }
0x100: {  	v2 =	vld [tilespmem:s4+$0xFFFFFD10];
	[tilespmem:s31+$0xFFFFFB00] =	vst v3  }
0x101: {  	v3 =	vld [tilespmem:s4+$0xFFFFFD90];
	[tilespmem:s31+$0xFFFFFC00] =	vst v4  }
0x102: {  	v4 =	vld [tilespmem:s4+$0xFFFFFE10];
	[tilespmem:s31+$0xFFFFFD00] =	vst v5  }
0x103: {  	v5 =	vld [tilespmem:s4+$0xFFFFFE90];
	[tilespmem:s31+$0xFFFFFE00] =	vst v6  }
0x104: {  	v6 =	vld [tilespmem:s4+$0xFFFFFF10]  }
0x105: {  	v8 =	vld [tilespmem:s4+$0xFFFFFC10]  }
0x106: {  	v9 =	vld.idx.msk [tilespmem:v7+s3+$0x0], $0xffff  }
0x107: {  	v10 =	vld.idx.msk [tilespmem:v1+s3+$0x0], $0xffff  }
0x108: {  	v11 =	vld.idx.msk [tilespmem:v2+s3+$0x0], $0xffff  }
0x109: {  	v12 =	vld.idx.msk [tilespmem:v3+s3+$0x0], $0xffff  }
0x10a: {  	v13 =	vld.idx.msk [tilespmem:v4+s3+$0x0], $0xffff  }
0x10b: {  	s31 =	sadd.s32 $0x800, s31;
	v14 =	vld.idx.msk [tilespmem:v5+s3+$0x0], $0xffff  }
0x10c: {  	v15 =	vld.idx.msk [tilespmem:v6+s3+$0x0], $0xffff;
	[tilespmem:s31+$0xFFFFFF10] =	vst v9  }
0x10d: {  	[tilespmem:s31+$0xFFFFF910] =	vst v10;
	v7 =	vld.idx.msk [tilespmem:v7+s17+$0x0], $0xffff  }
0x10e: {  	v9 =	vld.idx.msk [tilespmem:v8+s3+$0x0], $0xffff;
	[tilespmem:s31+$0xFFFFFA10] =	vst v11  }
0x10f: {  	v1 =	vld.idx.msk [tilespmem:v1+s17+$0x0], $0xffff;
	[tilespmem:s31+$0xFFFFFB10] =	vst v12  }
0x110: {  	v2 =	vld.idx.msk [tilespmem:v2+s17+$0x0], $0xffff;
	[tilespmem:s31+$0xFFFFFC10] =	vst v13  }
0x111: {  	v3 =	vld.idx.msk [tilespmem:v3+s17+$0x0], $0xffff;
	[tilespmem:s31+$0xFFFFFD10] =	vst v14  }
0x112: {  	v4 =	vld.idx.msk [tilespmem:v4+s17+$0x0], $0xffff;
	[tilespmem:s31+$0xFFFFFE10] =	vst v15  }
0x113: {  	v5 =	vld.idx.msk [tilespmem:v5+s17+$0x0], $0xffff;
	[tilespmem:s31+$0xFFFFFF90] =	vst v7  }
0x114: {  	[tilespmem:s31+$0xFFFFF810] =	vst v9;
	v7 =	vld [tilespmem:s4+$0xFFFFFFA0]  }
0x115: {  	v8 =	vld.idx.msk [tilespmem:v8+s17+$0x0], $0xffff;
	[tilespmem:s31+$0xFFFFF990] =	vst v1  }
0x116: {  	[tilespmem:s31+$0xFFFFFA90] =	vst v2;
	v1 =	vld.idx.msk [tilespmem:v6+s17+$0x0], $0xffff  }
0x117: {  	v2 =	vld [tilespmem:s4+$0xFFFFFCA0];
	[tilespmem:s31+$0xFFFFFB90] =	vst v3  }
0x118: {  	v3 =	vld [tilespmem:s4+$0xFFFFFD20];
	[tilespmem:s31+$0xFFFFFC90] =	vst v4  }
0x119: {  	v4 =	vld [tilespmem:s4+$0xFFFFFDA0];
	[tilespmem:s31+$0xFFFFFD90] =	vst v5  }
0x11a: {  	v5 =	vld [tilespmem:s4+$0xFFFFFE20]  }
0x11b: {  	[tilespmem:s31+$0xFFFFF890] =	vst v8;
	v6 =	vld [tilespmem:s4+$0xFFFFFEA0]  }
0x11c: {  	[tilespmem:s31+$0xFFFFFE90] =	vst v1;
	v1 =	vld.idx.msk [tilespmem:v7+s3+$0x0], $0xffff  }
0x11d: {  	v8 =	vld [tilespmem:s4+$0xFFFFFC20]  }
0x11e: {  	v9 =	vld [tilespmem:s4+$0xFFFFFF20]  }
0x11f: {  	v10 =	vld.idx.msk [tilespmem:v2+s3+$0x0], $0xffff  }
0x120: {  	v11 =	vld.idx.msk [tilespmem:v3+s3+$0x0], $0xffff  }
0x121: {  	v12 =	vld.idx.msk [tilespmem:v4+s3+$0x0], $0xffff  }
0x122: {  	v13 =	vld.idx.msk [tilespmem:v5+s3+$0x0], $0xffff;
	[tilespmem:s31+$0xFFFFFF20] =	vst v1  }
0x123: {  	v1 =	vld.idx.msk [tilespmem:v7+s17+$0x0], $0xffff  }
0x124: {  	v7 =	vld.idx.msk [tilespmem:v6+s3+$0x0], $0xffff  }
0x125: {  	v14 =	vld.idx.msk [tilespmem:v8+s3+$0x0], $0xffff;
	[tilespmem:s31+$0xFFFFF920] =	vst v10  }
0x126: {  	[tilespmem:s31+$0xFFFFFA20] =	vst v11;
	v10 =	vld.idx.msk [tilespmem:v9+s3+$0x0], $0xffff  }
0x127: {  	v2 =	vld.idx.msk [tilespmem:v2+s17+$0x0], $0xffff;
	[tilespmem:s31+$0xFFFFFB20] =	vst v12  }
0x128: {  	v3 =	vld.idx.msk [tilespmem:v3+s17+$0x0], $0xffff;
	[tilespmem:s31+$0xFFFFFC20] =	vst v13  }
0x129: {  	v4 =	vld.idx.msk [tilespmem:v4+s17+$0x0], $0xffff;
	[tilespmem:s31+$0xFFFFFFA0] =	vst v1  }
0x12a: {  	[tilespmem:s31+$0xFFFFFD20] =	vst v7;
	v1 =	vld [tilespmem:s4+$0xFFFFFFB0]  }
0x12b: {  	[tilespmem:s31+$0xFFFFF820] =	vst v14;
	v5 =	vld.idx.msk [tilespmem:v5+s17+$0x0], $0xffff  }
0x12c: {  	v7 =	vld.idx.msk [tilespmem:v8+s17+$0x0], $0xffff;
	[tilespmem:s31+$0xFFFFFE20] =	vst v10  }
0x12d: {  	[tilespmem:s31+$0xFFFFF9A0] =	vst v2;
	v2 =	vld.idx.msk [tilespmem:v6+s17+$0x0], $0xffff  }
0x12e: {  	[tilespmem:s31+$0xFFFFFAA0] =	vst v3;
	v3 =	vld.idx.msk [tilespmem:v9+s17+$0x0], $0xffff  }
0x12f: {  	v6 =	vld [tilespmem:s4+$0xFFFFFCB0];
	[tilespmem:s31+$0xFFFFFBA0] =	vst v4  }
0x130: {  	v4 =	vld [tilespmem:s4+$0xFFFFFD30]  }
0x131: {  	v8 =	vld [tilespmem:s4+$0xFFFFFDB0];
	[tilespmem:s31+$0xFFFFFCA0] =	vst v5  }
0x132: {  	[tilespmem:s31+$0xFFFFF8A0] =	vst v7;
	v5 =	vld.idx.msk [tilespmem:v1+s3+$0x0], $0xffff  }
0x133: {  	v7 =	vld [tilespmem:s4+$0xFFFFFC30];
	[tilespmem:s31+$0xFFFFFDA0] =	vst v2  }
0x134: {  	v2 =	vld [tilespmem:s4+$0xFFFFFE30];
	[tilespmem:s31+$0xFFFFFEA0] =	vst v3  }
0x135: {  	v3 =	vld [tilespmem:s4+$0xFFFFFEB0]  }
0x136: {  	v9 =	vld [tilespmem:s4+$0xFFFFFF30]  }
0x137: {  	v10 =	vld.idx.msk [tilespmem:v6+s3+$0x0], $0xffff  }
0x138: {  	v11 =	vld.idx.msk [tilespmem:v4+s3+$0x0], $0xffff;
	[tilespmem:s31+$0xFFFFFF30] =	vst v5  }
0x139: {  	v1 =	vld.idx.msk [tilespmem:v1+s17+$0x0], $0xffff  }
0x13a: {  	v5 =	vld.idx.msk [tilespmem:v8+s3+$0x0], $0xffff  }
0x13b: {  	v12 =	vld.idx.msk [tilespmem:v7+s3+$0x0], $0xffff  }
0x13c: {  	v13 =	vld.idx.msk [tilespmem:v2+s3+$0x0], $0xffff  }
0x13d: {  	[tilespmem:s31+$0xFFFFF930] =	vst v10;
	v10 =	vld.idx.msk [tilespmem:v3+s3+$0x0], $0xffff  }
0x13e: {  	[tilespmem:s31+$0xFFFFFA30] =	vst v11;
	v11 =	vld.idx.msk [tilespmem:v9+s3+$0x0], $0xffff  }
0x13f: {  	v6 =	vld.idx.msk [tilespmem:v6+s17+$0x0], $0xffff;
	[tilespmem:s31+$0xFFFFFFB0] =	vst v1  }
0x140: {  	[tilespmem:s31+$0xFFFFFB30] =	vst v5;
	v1 =	vld [tilespmem:s4+$0xFFFFFFC0]  }
0x141: {  	[tilespmem:s31+$0xFFFFF830] =	vst v12;
	v4 =	vld.idx.msk [tilespmem:v4+s17+$0x0], $0xffff  }
0x142: {  	v5 =	vld.idx.msk [tilespmem:v7+s17+$0x0], $0xffff;
	[tilespmem:s31+$0xFFFFFC30] =	vst v13  }
0x143: {  	v7 =	vld.idx.msk [tilespmem:v8+s17+$0x0], $0xffff;
	[tilespmem:s31+$0xFFFFFD30] =	vst v10  }
0x144: {  	v2 =	vld.idx.msk [tilespmem:v2+s17+$0x0], $0xffff;
	[tilespmem:s31+$0xFFFFFE30] =	vst v11  }
0x145: {  	[tilespmem:s31+$0xFFFFF9B0] =	vst v6;
	v3 =	vld.idx.msk [tilespmem:v3+s17+$0x0], $0xffff  }
0x146: {  	v6 =	vld.idx.msk [tilespmem:v9+s17+$0x0], $0xffff  }
0x147: {  	v8 =	vld [tilespmem:s4+$0xFFFFFCC0];
	[tilespmem:s31+$0xFFFFFAB0] =	vst v4  }
0x148: {  	[tilespmem:s31+$0xFFFFF8B0] =	vst v5;
	v4 =	vld.idx.msk [tilespmem:v1+s3+$0x0], $0xffff  }
0x149: {  	v5 =	vld [tilespmem:s4+$0xFFFFFC40];
	[tilespmem:s31+$0xFFFFFBB0] =	vst v7  }
0x14a: {  	v7 =	vld [tilespmem:s4+$0xFFFFFD40];
	[tilespmem:s31+$0xFFFFFCB0] =	vst v2  }
0x14b: {  	v2 =	vld [tilespmem:s4+$0xFFFFFDC0];
	[tilespmem:s31+$0xFFFFFDB0] =	vst v3  }
0x14c: {  	v3 =	vld [tilespmem:s4+$0xFFFFFE40];
	[tilespmem:s31+$0xFFFFFEB0] =	vst v6  }
0x14d: {  	v6 =	vld [tilespmem:s4+$0xFFFFFEC0]  }
0x14e: {  	v9 =	vld [tilespmem:s4+$0xFFFFFF40];
	[tilespmem:s31+$0xFFFFFF40] =	vst v4  }
0x14f: {  	v1 =	vld.idx.msk [tilespmem:v1+s17+$0x0], $0xffff  }
0x150: {  	v4 =	vld.idx.msk [tilespmem:v8+s3+$0x0], $0xffff  }
0x151: {  	v10 =	vld.idx.msk [tilespmem:v5+s3+$0x0], $0xffff  }
0x152: {  	v11 =	vld.idx.msk [tilespmem:v7+s3+$0x0], $0xffff  }
0x153: {  	v12 =	vld.idx.msk [tilespmem:v2+s3+$0x0], $0xffff  }
0x154: {  	v13 =	vld.idx.msk [tilespmem:v3+s3+$0x0], $0xffff  }
0x155: {  	v14 =	vld.idx.msk [tilespmem:v6+s3+$0x0], $0xffff;
	[tilespmem:s31+$0xFFFFFFC0] =	vst v1  }
0x156: {  	[tilespmem:s31+$0xFFFFF940] =	vst v4;
	v1 =	vld [tilespmem:s4+$0xFFFFFFD0]  }
0x157: {  	[tilespmem:s31+$0xFFFFF840] =	vst v10;
	v4 =	vld.idx.msk [tilespmem:v9+s3+$0x0], $0xffff  }
0x158: {  	v5 =	vld.idx.msk [tilespmem:v5+s17+$0x0], $0xffff;
	[tilespmem:s31+$0xFFFFFA40] =	vst v11  }
0x159: {  	v8 =	vld.idx.msk [tilespmem:v8+s17+$0x0], $0xffff;
	[tilespmem:s31+$0xFFFFFB40] =	vst v12  }
0x15a: {  	v7 =	vld.idx.msk [tilespmem:v7+s17+$0x0], $0xffff;
	[tilespmem:s31+$0xFFFFFC40] =	vst v13  }
0x15b: {  	v2 =	vld.idx.msk [tilespmem:v2+s17+$0x0], $0xffff;
	[tilespmem:s31+$0xFFFFFD40] =	vst v14  }
0x15c: {  	v3 =	vld.idx.msk [tilespmem:v3+s17+$0x0], $0xffff  }
0x15d: {  	v6 =	vld.idx.msk [tilespmem:v6+s17+$0x0], $0xffff;
	[tilespmem:s31+$0xFFFFFE40] =	vst v4  }
0x15e: {  	[tilespmem:s31+$0xFFFFF8C0] =	vst v5;
	v4 =	vld.idx.msk [tilespmem:v1+s3+$0x0], $0xffff  }
0x15f: {  	[tilespmem:s31+$0xFFFFF9C0] =	vst v8;
	v5 =	vld.idx.msk [tilespmem:v9+s17+$0x0], $0xffff  }
0x160: {  	v8 =	vld [tilespmem:s4+$0xFFFFFC50];
	[tilespmem:s31+$0xFFFFFAC0] =	vst v7  }
0x161: {  	v7 =	vld [tilespmem:s4+$0xFFFFFCD0];
	[tilespmem:s31+$0xFFFFFBC0] =	vst v2  }
0x162: {  	v2 =	vld [tilespmem:s4+$0xFFFFFD50];
	[tilespmem:s31+$0xFFFFFCC0] =	vst v3  }
0x163: {  	v3 =	vld [tilespmem:s4+$0xFFFFFDD0];
	[tilespmem:s31+$0xFFFFFDC0] =	vst v6  }
0x164: {  	v6 =	vld [tilespmem:s4+$0xFFFFFE50];
	[tilespmem:s31+$0xFFFFFF50] =	vst v4  }
0x165: {  	[tilespmem:s31+$0xFFFFFEC0] =	vst v5;
	v1 =	vld.idx.msk [tilespmem:v1+s17+$0x0], $0xffff  }
0x166: {  	v4 =	vld [tilespmem:s4+$0xFFFFFED0]  }
0x167: {  	v5 =	vld [tilespmem:s4+$0xFFFFFF50]  }
0x168: {  	v9 =	vld.idx.msk [tilespmem:v8+s3+$0x0], $0xffff  }
0x169: {  	v10 =	vld.idx.msk [tilespmem:v7+s3+$0x0], $0xffff  }
0x16a: {  	v11 =	vld.idx.msk [tilespmem:v2+s3+$0x0], $0xffff  }
0x16b: {  	v12 =	vld.idx.msk [tilespmem:v3+s3+$0x0], $0xffff;
	[tilespmem:s31+$0xFFFFFFD0] =	vst v1  }
0x16c: {  	v1 =	vld [tilespmem:s4+$0xFFFFFFE0]  }
0x16d: {  	v13 =	vld.idx.msk [tilespmem:v6+s3+$0x0], $0xffff  }
0x16e: {  	[tilespmem:s31+$0xFFFFF850] =	vst v9;
	v9 =	vld.idx.msk [tilespmem:v4+s3+$0x0], $0xffff  }
0x16f: {  	[tilespmem:s31+$0xFFFFF950] =	vst v10;
	v10 =	vld.idx.msk [tilespmem:v5+s3+$0x0], $0xffff  }
0x170: {  	v8 =	vld.idx.msk [tilespmem:v8+s17+$0x0], $0xffff;
	[tilespmem:s31+$0xFFFFFA50] =	vst v11  }
0x171: {  	v7 =	vld.idx.msk [tilespmem:v7+s17+$0x0], $0xffff;
	[tilespmem:s31+$0xFFFFFB50] =	vst v12  }
0x172: {  	v2 =	vld.idx.msk [tilespmem:v2+s17+$0x0], $0xffff  }
0x173: {  	v3 =	vld.idx.msk [tilespmem:v3+s17+$0x0], $0xffff;
	[tilespmem:s31+$0xFFFFFC50] =	vst v13  }
0x174: {  	[tilespmem:s31+$0xFFFFFD50] =	vst v9;
	v9 =	vld.idx.msk [tilespmem:v1+s3+$0x0], $0xffff  }
0x175: {  	v6 =	vld.idx.msk [tilespmem:v6+s17+$0x0], $0xffff;
	[tilespmem:s31+$0xFFFFFE50] =	vst v10  }
0x176: {  	[tilespmem:s31+$0xFFFFF8D0] =	vst v8;
	v4 =	vld.idx.msk [tilespmem:v4+s17+$0x0], $0xffff  }
0x177: {  	[tilespmem:s31+$0xFFFFF9D0] =	vst v7;
	v5 =	vld.idx.msk [tilespmem:v5+s17+$0x0], $0xffff  }
0x178: {  	v7 =	vld [tilespmem:s4+$0xFFFFFC60];
	[tilespmem:s31+$0xFFFFFAD0] =	vst v2  }
0x179: {  	v2 =	vld [tilespmem:s4+$0xFFFFFCE0];
	[tilespmem:s31+$0xFFFFFBD0] =	vst v3  }
0x17a: {  	v3 =	vld [tilespmem:s4+$0xFFFFFD60];
	[tilespmem:s31+$0xFFFFFF60] =	vst v9  }
0x17b: {  	[tilespmem:s31+$0xFFFFFCD0] =	vst v6;
	v1 =	vld.idx.msk [tilespmem:v1+s17+$0x0], $0xffff  }
0x17c: {  	v6 =	vld [tilespmem:s4+$0xFFFFFDE0];
	[tilespmem:s31+$0xFFFFFDD0] =	vst v4  }
0x17d: {  	v4 =	vld [tilespmem:s4+$0xFFFFFE60];
	[tilespmem:s31+$0xFFFFFED0] =	vst v5  }
0x17e: {  	v5 =	vld [tilespmem:s4+$0xFFFFFEE0]  }
0x17f: {  	v8 =	vld [tilespmem:s4+$0xFFFFFF60]  }
0x180: {  	v9 =	vld.idx.msk [tilespmem:v7+s3+$0x0], $0xffff  }
0x181: {  	v10 =	vld.idx.msk [tilespmem:v2+s3+$0x0], $0xffff;
	[tilespmem:s31+$0xFFFFFFE0] =	vst v1  }
0x182: {  	v1 =	vld [tilespmem:s4+$0xFFFFFFF0]  }
0x183: {  	v11 =	vld.idx.msk [tilespmem:v3+s3+$0x0], $0xffff  }
0x184: {  	v12 =	vld.idx.msk [tilespmem:v6+s3+$0x0], $0xffff  }
0x185: {  	v13 =	vld.idx.msk [tilespmem:v4+s3+$0x0], $0xffff  }
0x186: {  	[tilespmem:s31+$0xFFFFF860] =	vst v9;
	v9 =	vld.idx.msk [tilespmem:v5+s3+$0x0], $0xffff  }
0x187: {  	[tilespmem:s31+$0xFFFFF960] =	vst v10;
	v10 =	vld.idx.msk [tilespmem:v8+s3+$0x0], $0xffff  }
0x188: {  	v7 =	vld.idx.msk [tilespmem:v7+s17+$0x0], $0xffff  }
0x189: {  	v2 =	vld.idx.msk [tilespmem:v2+s17+$0x0], $0xffff;
	[tilespmem:s31+$0xFFFFFA60] =	vst v11  }
0x18a: {  	[tilespmem:s31+$0xFFFFFB60] =	vst v12;
	v11 =	vld.idx.msk [tilespmem:v1+s3+$0x0], $0xffff  }
0x18b: {  	v3 =	vld.idx.msk [tilespmem:v3+s17+$0x0], $0xffff;
	[tilespmem:s31+$0xFFFFFC60] =	vst v13  }
0x18c: {  	v6 =	vld.idx.msk [tilespmem:v6+s17+$0x0], $0xffff;
	[tilespmem:s31+$0xFFFFFD60] =	vst v9  }
0x18d: {  	v4 =	vld.idx.msk [tilespmem:v4+s17+$0x0], $0xffff;
	[tilespmem:s31+$0xFFFFFE60] =	vst v10  }
0x18e: {  	[tilespmem:s31+$0xFFFFF8E0] =	vst v7;
	v5 =	vld.idx.msk [tilespmem:v5+s17+$0x0], $0xffff  }
0x18f: {  	[tilespmem:s31+$0xFFFFF9E0] =	vst v2;
	v2 =	vld.idx.msk [tilespmem:v8+s17+$0x0], $0xffff  }
0x190: {  	v7 =	vld [tilespmem:s4+$0xFFFFFC70];
	[tilespmem:s31+$0xFFFFFF70] =	vst v11  }
0x191: {  	[tilespmem:s31+$0xFFFFFAE0] =	vst v3;
	v1 =	vld.idx.msk [tilespmem:v1+s17+$0x0], $0xffff  }
0x192: {  	v3 =	vld [tilespmem:s4+$0xFFFFFCF0];
	[tilespmem:s31+$0xFFFFFBE0] =	vst v6  }
0x193: {  	v6 =	vld [tilespmem:s4+$0xFFFFFD70];
	[tilespmem:s31+$0xFFFFFCE0] =	vst v4  }
0x194: {  	v4 =	vld [tilespmem:s4+$0xFFFFFDF0];
	[tilespmem:s31+$0xFFFFFDE0] =	vst v5  }
0x195: {  	v5 =	vld [tilespmem:s4+$0xFFFFFE70];
	[tilespmem:s31+$0xFFFFFEE0] =	vst v2  }
0x196: {  	v2 =	vld [tilespmem:s4+$0xFFFFFEF0]  }
0x197: {  	v8 =	vld [tilespmem:s4+$0xFFFFFF70];
	[tilespmem:s31+$0xFFFFFFF0] =	vst v1  }
0x198: {  	v1 =	vld [tilespmem:s4+$0x0]  }
0x199: {  	v9 =	vld.idx.msk [tilespmem:v7+s3+$0x0], $0xffff  }
0x19a: {  	v10 =	vld.idx.msk [tilespmem:v3+s3+$0x0], $0xffff  }
0x19b: {  	v11 =	vld.idx.msk [tilespmem:v6+s3+$0x0], $0xffff  }
0x19c: {  	v12 =	vld.idx.msk [tilespmem:v4+s3+$0x0], $0xffff  }
0x19d: {  	v13 =	vld.idx.msk [tilespmem:v5+s3+$0x0], $0xffff  }
0x19e: {  	v14 =	vld.idx.msk [tilespmem:v2+s3+$0x0], $0xffff  }
0x19f: {  	[tilespmem:s31+$0xFFFFF870] =	vst v9;
	v9 =	vld.idx.msk [tilespmem:v8+s3+$0x0], $0xffff  }
0x1a0: {  	[tilespmem:s31+$0xFFFFF970] =	vst v10;
	v10 =	vld.idx.msk [tilespmem:v1+s3+$0x0], $0xffff  }
0x1a1: {  	v7 =	vld.idx.msk [tilespmem:v7+s17+$0x0], $0xffff;
	[tilespmem:s31+$0xFFFFFA70] =	vst v11  }
0x1a2: {  	v3 =	vld.idx.msk [tilespmem:v3+s17+$0x0], $0xffff;
	[tilespmem:s31+$0xFFFFFB70] =	vst v12  }
0x1a3: {  	v6 =	vld.idx.msk [tilespmem:v6+s17+$0x0], $0xffff;
	[tilespmem:s31+$0xFFFFFC70] =	vst v13  }
0x1a4: {  	v4 =	vld.idx.msk [tilespmem:v4+s17+$0x0], $0xffff;
	[tilespmem:s31+$0xFFFFFD70] =	vst v14  }
0x1a5: {  	v5 =	vld.idx.msk [tilespmem:v5+s17+$0x0], $0xffff;
	[tilespmem:s31+$0xFFFFFE70] =	vst v9  }
0x1a6: {  	v2 =	vld.idx.msk [tilespmem:v2+s17+$0x0], $0xffff;
	[tilespmem:s31+$0xFFFFFF80] =	vst v10  }
0x1a7: {  	[tilespmem:s31+$0xFFFFF8F0] =	vst v7;
	v1 =	vld.idx.msk [tilespmem:v1+s17+$0x0], $0xffff  }
0x1a8: {  	[tilespmem:s31+$0xFFFFF9F0] =	vst v3;
	v3 =	vld.idx.msk [tilespmem:v8+s17+$0x0], $0xffff  }
0x1a9: {  	v7 =	vld [tilespmem:s4+$0xFFFFFC80];
	[tilespmem:s31+$0xFFFFFAF0] =	vst v6  }
0x1aa: {  	v6 =	vld [tilespmem:s4+$0xFFFFFD00];
	[tilespmem:s31+$0xFFFFFBF0] =	vst v4  }
0x1ab: {  	v4 =	vld [tilespmem:s4+$0xFFFFFD80];
	[tilespmem:s31+$0xFFFFFCF0] =	vst v5  }
0x1ac: {  	v5 =	vld [tilespmem:s4+$0xFFFFFE00];
	[tilespmem:s31+$0xFFFFFDF0] =	vst v2  }
0x1ad: {  	v8 =	vld [tilespmem:s4+$0xFFFFFE80];
	[tilespmem:s31+$0x0] =	vst v1  }
0x1ae: {  	v9 =	vld [tilespmem:s4+$0xFFFFFF00];
	[tilespmem:s31+$0xFFFFFEF0] =	vst v3  }
0x1af: {  	v1 =	vld [tilespmem:s4+$0xFFFFFF80]  }
0x1b0: {  	v2 =	vld.idx.msk [tilespmem:v0+s17+$0x0], $0xffff  }
0x1b1: {  	v3 =	vld.idx.msk [tilespmem:v7+s3+$0x0], $0xffff  }
0x1b2: {  	v10 =	vld.idx.msk [tilespmem:v6+s3+$0x0], $0xffff  }
0x1b3: {  	v11 =	vld.idx.msk [tilespmem:v4+s3+$0x0], $0xffff  }
0x1b4: {  	v12 =	vld.idx.msk [tilespmem:v5+s3+$0x0], $0xffff;
	v0 =	vmov v1  }
0x1b5: {  	v13 =	vld.idx.msk [tilespmem:v8+s3+$0x0], $0xffff  }
0x1b6: {  	v14 =	vld.idx.msk [tilespmem:v9+s3+$0x0], $0xffff;
	[tilespmem:s0+$0xFFFFFF00] =	vst v2;
	s0 =	smov.u32 s31  }
0x1b7: {  	[tilespmem:s31+$0xFFFFF880] =	vst v3;
	v15 =	vld.idx.msk [tilespmem:v1+s3+$0x0], $0xffff  }
0x1b8: {  	v1 =	vld.idx.msk [tilespmem:v7+s17+$0x0], $0xffff;
	[tilespmem:s31+$0xFFFFF980] =	vst v10  }
.Ltmp7:
0x1b9: {  	v2 =	vld.idx.msk [tilespmem:v6+s17+$0x0], $0xffff;
	[tilespmem:s31+$0xFFFFFA80] =	vst v11;
	(pc) =	sbr.rel @p3 .LBB2_9-.Ltmp7, $4  }
0x1ba: {  	v3 =	vld.idx.msk [tilespmem:v4+s17+$0x0], $0xffff;
	[tilespmem:s31+$0xFFFFFB80] =	vst v12  }
0x1bb: {  	v4 =	vld.idx.msk [tilespmem:v5+s17+$0x0], $0xffff;
	[tilespmem:s31+$0xFFFFFC80] =	vst v13  }
0x1bc: {  	v5 =	vld.idx.msk [tilespmem:v8+s17+$0x0], $0xffff;
	[tilespmem:s31+$0xFFFFFD80] =	vst v14  }
0x1bd: {  	s4 =	sadd.s32 $0x400, s4;
	v6 =	vld.idx.msk [tilespmem:v9+s17+$0x0], $0xffff;
	[tilespmem:s31+$0xFFFFFE80] =	vst v15  }
0x1be: {  	_ =	sdelay $0x2  }
0x1bf: {  	[tilespmem:s31+$0xFFFFF900] =	vst v1  }
0x1c0: {  	[tilespmem:s31+$0xFFFFFA00] =	vst v2;
	v0 =	vld.idx.msk [tilespmem:v0+s17+$0x0], $0xffff  }
0x1c1: {  	p3 =	seq.s32 s29, $0x20;
	[tilespmem:s31+$0xFFFFFB00] =	vst v3  }
.Ltmp8:
0x1c2: {  	[tilespmem:s31+$0xFFFFFC00] =	vst v4;
	(pc) =	sbr.rel @p3 .LBB2_12-.Ltmp8, $4  }
0x1c3: {  	[tilespmem:s31+$0xFFFFFD00] =	vst v5  }
0x1c4: {  	s1 =	sshll.u32 s30, $0xE;
	[tilespmem:s31+$0xFFFFFE00] =	vst v6  }
0x1c5: {  	s31 =	sadd.s32 s1, s7;
	[tilespmem:s0+$0xFFFFFF00] =	vst v0  }
0x1c6: {  	[hbm4b:s31+s18] =	stream.strided.scatter [tilespmem:s20], [sflag:$0x6], $0x8000, s19, s18, $0x38;
	[tilespmem:$0x1C800] =	vst v63  }
.LBB2_11:
0x1c7: {  	_ =	swait.ge [sflag:s26], $0x4000  }
0x1c8: {  	[sflag:s26] =	ssyncset.done $0x0  }
0x1c9: {  	[sflag:s26] =	ssyncadd.s32 $0xFFFFC000  }
.LBB2_12:
0x1ca: {  	s0 =	simm.s32 @p2 $0x2  }
0x1cb: {  	_ =	swait.ge @p2 [sflag:s0], $0x800  }
0x1cc: {  	p3 =	sgt.u32 @!p0 s29, $0x1E;
	[sflag:s0] =	ssyncset.done @p2 $0x0  }
0x1cd: {  	[sflag:s0] =	ssyncadd.s32 @p2 $0xFFFFF800;
	p2 =	por p0, p3  }
.Ltmp9:
0x1ce: {  	_ = 	snop;
	(pc) =	sbr.rel @p2 .LBB2_14-.Ltmp9, $2  }
0x1cf: {  	_ =	sdelay $0x1  }
0x1d0: {  	[bflag:$0x0] =	sbarrier.arrive $0xFFFF;
	_ =	sdelay $0x1  }
.Ltmp10:
0x1d1: {  	(pc) =	sbr.rel .LBB2_15-.Ltmp10, $4  }
0x1d2: {  	_ = 	snop  }
0x1d3: {  	s0 =	sshll.u32 s29, $0xC  }
0x1d4: {  	s0 =	sadd.s32 s0, s8  }
0x1d5: {  	[spmem:s21], [sflag:s22] =	dma.local [hbm:s0], $0x800  }
.LBB2_14:
0x1d6: {  	p2 =	seq.s32 s29, $0x20  }
.Ltmp11:
0x1d7: {  	_ = 	snop;
	(pc) =	sbr.rel @p2 .LBB2_18-.Ltmp11, $1  }
0x1d8: {  	_ =	sdelay $0x3  }
.LBB2_15:
0x1d9: {  	[tilespmem:s23], [sflag:$0x4] =	stream.linear.gather [spmem:s5], $0x4000, $0x38;
	[tilespmem:$0x1C800] =	vst v63  }
0x1da: {  	p2 =	seq.s32 s29, $0x0  }
0x1db: {  	s0 =	simm.s32 @!p2 $0x5  }
0x1dc: {  	_ =	swait.ge @!p2 [sflag:s0], $0x8000  }
0x1dd: {  	[sflag:s0] =	ssyncset.done @!p2 $0x0  }
0x1de: {  	s31 =	simm.s32 $0x4200;
	[sflag:s0] =	ssyncadd.s32 @!p2 $0xFFFF8000  }
0x1df: {  	v0 =	vld [tilespmem:s31+$0x180]  }
0x1e0: {  	v1 =	vld [tilespmem:s31+$0xFFFFFE80]  }
0x1e1: {  	v2 =	vld [tilespmem:s31+$0xFFFFFF00]  }
0x1e2: {  	v3 =	vld [tilespmem:s31+$0xFFFFFF80]  }
0x1e3: {  	v4 =	vld [tilespmem:s31+$0x0]  }
0x1e4: {  	v5 =	vld [tilespmem:s31+$0x80]  }
0x1e5: {  	v6 =	vld [tilespmem:s31+$0x100]  }
0x1e6: {  	v7 =	vld [tilespmem:s31+$0xFFFFFE00]  }
0x1e7: {  	v8 =	vld.idx.msk [tilespmem:v0+s3+$0x0], $0xffff  }
0x1e8: {  	v9 =	vld.idx.msk [tilespmem:v1+s3+$0x0], $0xffff  }
0x1e9: {  	v10 =	vld.idx.msk [tilespmem:v2+s3+$0x0], $0xffff  }
0x1ea: {  	v11 =	vld.idx.msk [tilespmem:v3+s3+$0x0], $0xffff  }
0x1eb: {  	v12 =	vld.idx.msk [tilespmem:v4+s3+$0x0], $0xffff  }
0x1ec: {  	s30 =	simm.s32 $0xC400;
	v13 =	vld.idx.msk [tilespmem:v5+s3+$0x0], $0xffff  }
0x1ed: {  	v14 =	vld.idx.msk [tilespmem:v6+s3+$0x0], $0xffff;
	[tilespmem:s30+$0x300] =	vst v8  }
0x1ee: {  	[tilespmem:s30+$0xFFFFFD00] =	vst v9;
	v8 =	vld.idx.msk [tilespmem:v7+s3+$0x0], $0xffff  }
0x1ef: {  	[tilespmem:s30+$0xFFFFFE00] =	vst v10;
	v0 =	vld.idx.msk [tilespmem:v0+s17+$0x0], $0xffff  }
0x1f0: {  	[tilespmem:s30+$0xFFFFFF00] =	vst v11;
	v1 =	vld.idx.msk [tilespmem:v1+s17+$0x0], $0xffff  }
0x1f1: {  	[tilespmem:s30+$0x0] =	vst v12;
	v2 =	vld.idx.msk [tilespmem:v2+s17+$0x0], $0xffff  }
0x1f2: {  	[tilespmem:s30+$0x100] =	vst v13;
	v3 =	vld.idx.msk [tilespmem:v3+s17+$0x0], $0xffff  }
0x1f3: {  	[tilespmem:s30+$0x200] =	vst v14;
	v4 =	vld.idx.msk [tilespmem:v4+s17+$0x0], $0xffff  }
0x1f4: {  	v5 =	vld.idx.msk [tilespmem:v5+s17+$0x0], $0xffff;
	[tilespmem:s30+$0xFFFFFC00] =	vst v8  }
0x1f5: {  	[tilespmem:s30+$0x380] =	vst v0;
	v7 =	vld.idx.msk [tilespmem:v7+s17+$0x0], $0xffff  }
0x1f6: {  	[tilespmem:s30+$0xFFFFFD80] =	vst v1;
	v1 =	vld.idx.msk [tilespmem:v6+s17+$0x0], $0xffff  }
0x1f7: {  	[tilespmem:s30+$0xFFFFFE80] =	vst v2;
	v0 =	vld [tilespmem:s31+$0x190]  }
0x1f8: {  	[tilespmem:s30+$0xFFFFFF80] =	vst v3;
	v2 =	vld [tilespmem:s31+$0xFFFFFE90]  }
0x1f9: {  	[tilespmem:s30+$0x80] =	vst v4;
	v3 =	vld [tilespmem:s31+$0xFFFFFF10]  }
0x1fa: {  	[tilespmem:s30+$0x180] =	vst v5;
	v4 =	vld [tilespmem:s31+$0xFFFFFF90]  }
0x1fb: {  	v5 =	vld [tilespmem:s31+$0x10];
	[tilespmem:s30+$0xFFFFFC80] =	vst v7  }
0x1fc: {  	[tilespmem:s30+$0x280] =	vst v1;
	v1 =	vld [tilespmem:s31+$0xFFFFFE10]  }
0x1fd: {  	v6 =	vld [tilespmem:s31+$0x90]  }
0x1fe: {  	v8 =	vld [tilespmem:s31+$0x110]  }
0x1ff: {  	v7 =	vld.idx.msk [tilespmem:v0+s3+$0x0], $0xffff  }
0x200: {  	v9 =	vld.idx.msk [tilespmem:v2+s3+$0x0], $0xffff  }
0x201: {  	v10 =	vld.idx.msk [tilespmem:v3+s3+$0x0], $0xffff  }
0x202: {  	v11 =	vld.idx.msk [tilespmem:v4+s3+$0x0], $0xffff  }
0x203: {  	v12 =	vld.idx.msk [tilespmem:v5+s3+$0x0], $0xffff  }
0x204: {  	[tilespmem:s30+$0x310] =	vst v7;
	v47 =	vld.idx.msk [tilespmem:v1+s3+$0x0], $0xffff  }
0x205: {  	v7 =	vld.idx.msk [tilespmem:v6+s3+$0x0], $0xffff;
	[tilespmem:s30+$0xFFFFFD10] =	vst v9  }
0x206: {  	v48 =	vld.idx.msk [tilespmem:v8+s3+$0x0], $0xffff;
	[tilespmem:s30+$0xFFFFFE10] =	vst v10  }
0x207: {  	[tilespmem:s30+$0xFFFFFF10] =	vst v11;
	v0 =	vld.idx.msk [tilespmem:v0+s17+$0x0], $0xffff  }
0x208: {  	[tilespmem:s30+$0x10] =	vst v12;
	v2 =	vld.idx.msk [tilespmem:v2+s17+$0x0], $0xffff  }
0x209: {  	v3 =	vld.idx.msk [tilespmem:v3+s17+$0x0], $0xffff;
	[tilespmem:s30+$0xFFFFFC10] =	vst v47  }
0x20a: {  	v4 =	vld.idx.msk [tilespmem:v4+s17+$0x0], $0xffff;
	[tilespmem:s30+$0x110] =	vst v7  }
0x20b: {  	v5 =	vld.idx.msk [tilespmem:v5+s17+$0x0], $0xffff;
	[tilespmem:s30+$0x210] =	vst v48  }
0x20c: {  	[tilespmem:s30+$0x390] =	vst v0;
	v1 =	vld.idx.msk [tilespmem:v1+s17+$0x0], $0xffff  }
0x20d: {  	v6 =	vld.idx.msk [tilespmem:v6+s17+$0x0], $0xffff;
	[tilespmem:s30+$0xFFFFFD90] =	vst v2  }
0x20e: {  	v2 =	vld.idx.msk [tilespmem:v8+s17+$0x0], $0xffff;
	[tilespmem:s30+$0xFFFFFE90] =	vst v3  }
0x20f: {  	[tilespmem:s30+$0xFFFFFF90] =	vst v4;
	v0 =	vld [tilespmem:s31+$0x1A0]  }
0x210: {  	[tilespmem:s30+$0x90] =	vst v5;
	v3 =	vld [tilespmem:s31+$0xFFFFFEA0]  }
0x211: {  	v4 =	vld [tilespmem:s31+$0xFFFFFF20];
	[tilespmem:s30+$0xFFFFFC90] =	vst v1  }
0x212: {  	[tilespmem:s30+$0x190] =	vst v6;
	v6 =	vld [tilespmem:s31+$0x20]  }
0x213: {  	v5 =	vld [tilespmem:s31+$0xFFFFFE20]  }
0x214: {  	v7 =	vld [tilespmem:s31+$0xFFFFFFA0]  }
0x215: {  	[tilespmem:s30+$0x290] =	vst v2;
	v2 =	vld [tilespmem:s31+$0xA0]  }
0x216: {  	v8 =	vld [tilespmem:s31+$0x120]  }
0x217: {  	v1 =	vld.idx.msk [tilespmem:v0+s3+$0x0], $0xffff  }
0x218: {  	v49 =	vld.idx.msk [tilespmem:v3+s3+$0x0], $0xffff  }
0x219: {  	v10 =	vld.idx.msk [tilespmem:v4+s3+$0x0], $0xffff  }
0x21a: {  	v12 =	vld.idx.msk [tilespmem:v6+s3+$0x0], $0xffff  }
0x21b: {  	v50 =	vld.idx.msk [tilespmem:v5+s3+$0x0], $0xffff  }
0x21c: {  	[tilespmem:s30+$0x320] =	vst v1;
	v1 =	vld.idx.msk [tilespmem:v7+s3+$0x0], $0xffff  }
0x21d: {  	v51 =	vld.idx.msk [tilespmem:v2+s3+$0x0], $0xffff;
	[tilespmem:s30+$0xFFFFFD20] =	vst v49  }
0x21e: {  	v52 =	vld.idx.msk [tilespmem:v8+s3+$0x0], $0xffff;
	[tilespmem:s30+$0xFFFFFE20] =	vst v10  }
0x21f: {  	v0 =	vld.idx.msk [tilespmem:v0+s17+$0x0], $0xffff;
	[tilespmem:s30+$0x20] =	vst v12  }
0x220: {  	v3 =	vld.idx.msk [tilespmem:v3+s17+$0x0], $0xffff;
	[tilespmem:s30+$0xFFFFFC20] =	vst v50  }
0x221: {  	v4 =	vld.idx.msk [tilespmem:v4+s17+$0x0], $0xffff;
	[tilespmem:s30+$0xFFFFFF20] =	vst v1  }
0x222: {  	[tilespmem:s30+$0x120] =	vst v51;
	v6 =	vld.idx.msk [tilespmem:v6+s17+$0x0], $0xffff  }
0x223: {  	[tilespmem:s30+$0x220] =	vst v52;
	v1 =	vld.idx.msk [tilespmem:v5+s17+$0x0], $0xffff  }
0x224: {  	[tilespmem:s30+$0x3A0] =	vst v0;
	v5 =	vld.idx.msk [tilespmem:v7+s17+$0x0], $0xffff  }
0x225: {  	v2 =	vld.idx.msk [tilespmem:v2+s17+$0x0], $0xffff;
	[tilespmem:s30+$0xFFFFFDA0] =	vst v3  }
0x226: {  	v3 =	vld.idx.msk [tilespmem:v8+s17+$0x0], $0xffff;
	[tilespmem:s30+$0xFFFFFEA0] =	vst v4  }
0x227: {  	v0 =	vld [tilespmem:s31+$0x1B0];
	[tilespmem:s30+$0xA0] =	vst v6  }
0x228: {  	v7 =	vld [tilespmem:s31+$0xFFFFFEB0];
	[tilespmem:s30+$0xFFFFFCA0] =	vst v1  }
0x229: {  	[tilespmem:s30+$0xFFFFFFA0] =	vst v5;
	v5 =	vld [tilespmem:s31+$0xFFFFFF30]  }
0x22a: {  	[tilespmem:s30+$0x1A0] =	vst v2;
	v2 =	vld [tilespmem:s31+$0x30]  }
0x22b: {  	v4 =	vld [tilespmem:s31+$0xFFFFFE30]  }
0x22c: {  	v6 =	vld [tilespmem:s31+$0xFFFFFFB0]  }
0x22d: {  	[tilespmem:s30+$0x2A0] =	vst v3;
	v3 =	vld [tilespmem:s31+$0xB0]  }
0x22e: {  	v8 =	vld [tilespmem:s31+$0x130]  }
0x22f: {  	v1 =	vld.idx.msk [tilespmem:v0+s3+$0x0], $0xffff;
	_ =	sdelay $0x1  }
0x230: {  	v10 =	vld.idx.msk [tilespmem:v5+s3+$0x0], $0xffff  }
0x231: {  	v12 =	vld.idx.msk [tilespmem:v2+s3+$0x0], $0xffff  }
0x232: {  	v53 =	vld.idx.msk [tilespmem:v4+s3+$0x0], $0xffff  }
0x233: {  	[tilespmem:s30+$0x330] =	vst v1;
	v1 =	vld.idx.msk [tilespmem:v7+s3+$0x0], $0xffff  }
0x234: {  	v54 =	vld.idx.msk [tilespmem:v6+s3+$0x0], $0xffff  }
0x235: {  	v13 =	vld.idx.msk [tilespmem:v3+s3+$0x0], $0xffff;
	[tilespmem:s30+$0xFFFFFE30] =	vst v10  }
0x236: {  	v55 =	vld.idx.msk [tilespmem:v8+s3+$0x0], $0xffff;
	[tilespmem:s30+$0x30] =	vst v12  }
0x237: {  	v0 =	vld.idx.msk [tilespmem:v0+s17+$0x0], $0xffff;
	[tilespmem:s30+$0xFFFFFC30] =	vst v53  }
0x238: {  	[tilespmem:s30+$0xFFFFFD30] =	vst v1;
	v5 =	vld.idx.msk [tilespmem:v5+s17+$0x0], $0xffff  }
0x239: {  	[tilespmem:s30+$0xFFFFFF30] =	vst v54;
	v2 =	vld.idx.msk [tilespmem:v2+s17+$0x0], $0xffff  }
0x23a: {  	[tilespmem:s30+$0x130] =	vst v13;
	v1 =	vld.idx.msk [tilespmem:v4+s17+$0x0], $0xffff  }
0x23b: {  	[tilespmem:s30+$0x230] =	vst v55;
	v6 =	vld.idx.msk [tilespmem:v6+s17+$0x0], $0xffff  }
0x23c: {  	[tilespmem:s30+$0x3B0] =	vst v0;
	v4 =	vld.idx.msk [tilespmem:v7+s17+$0x0], $0xffff  }
0x23d: {  	v0 =	vld [tilespmem:s31+$0x1C0];
	[tilespmem:s30+$0xFFFFFEB0] =	vst v5  }
0x23e: {  	v3 =	vld.idx.msk [tilespmem:v3+s17+$0x0], $0xffff;
	[tilespmem:s30+$0xB0] =	vst v2  }
0x23f: {  	[tilespmem:s30+$0xFFFFFCB0] =	vst v1;
	v1 =	vld.idx.msk [tilespmem:v8+s17+$0x0], $0xffff  }
0x240: {  	[tilespmem:s30+$0xFFFFFFB0] =	vst v6;
	v6 =	vld [tilespmem:s31+$0xFFFFFF40]  }
0x241: {  	v8 =	vld [tilespmem:s31+$0x40]  }
0x242: {  	[tilespmem:s30+$0xFFFFFDB0] =	vst v4;
	v4 =	vld [tilespmem:s31+$0xFFFFFE40]  }
0x243: {  	v5 =	vld [tilespmem:s31+$0xFFFFFEC0]  }
0x244: {  	v2 =	vld [tilespmem:s31+$0xFFFFFFC0]  }
0x245: {  	[tilespmem:s30+$0x1B0] =	vst v3;
	v7 =	vld.idx.msk [tilespmem:v0+s3+$0x0], $0xffff  }
0x246: {  	[tilespmem:s30+$0x2B0] =	vst v1;
	v1 =	vld [tilespmem:s31+$0xC0]  }
0x247: {  	v3 =	vld [tilespmem:s31+$0x140]  }
0x248: {  	v10 =	vld.idx.msk [tilespmem:v6+s3+$0x0], $0xffff  }
0x249: {  	v12 =	vld.idx.msk [tilespmem:v8+s3+$0x0], $0xffff  }
0x24a: {  	[tilespmem:s30+$0x340] =	vst v7;
	v7 =	vld.idx.msk [tilespmem:v4+s3+$0x0], $0xffff  }
0x24b: {  	v56 =	vld.idx.msk [tilespmem:v5+s3+$0x0], $0xffff  }
0x24c: {  	v11 =	vld.idx.msk [tilespmem:v2+s3+$0x0], $0xffff  }
0x24d: {  	v0 =	vld.idx.msk [tilespmem:v0+s17+$0x0], $0xffff  }
0x24e: {  	v13 =	vld.idx.msk [tilespmem:v1+s3+$0x0], $0xffff;
	[tilespmem:s30+$0xFFFFFE40] =	vst v10  }
0x24f: {  	[tilespmem:s30+$0xFFFFFC40] =	vst v7;
	v7 =	vld.idx.msk [tilespmem:v3+s3+$0x0], $0xffff  }
0x250: {  	[tilespmem:s30+$0x40] =	vst v12;
	v6 =	vld.idx.msk [tilespmem:v6+s17+$0x0], $0xffff  }
0x251: {  	v8 =	vld.idx.msk [tilespmem:v8+s17+$0x0], $0xffff  }
0x252: {  	[tilespmem:s30+$0xFFFFFD40] =	vst v56;
	v4 =	vld.idx.msk [tilespmem:v4+s17+$0x0], $0xffff  }
0x253: {  	[tilespmem:s30+$0x3C0] =	vst v0;
	v5 =	vld.idx.msk [tilespmem:v5+s17+$0x0], $0xffff  }
0x254: {  	[tilespmem:s30+$0xFFFFFF40] =	vst v11;
	v0 =	vld [tilespmem:s31+$0x1D0]  }
0x255: {  	v2 =	vld.idx.msk [tilespmem:v2+s17+$0x0], $0xffff;
	[tilespmem:s30+$0x140] =	vst v13  }
0x256: {  	[tilespmem:s30+$0x240] =	vst v7;
	v1 =	vld.idx.msk [tilespmem:v1+s17+$0x0], $0xffff  }
0x257: {  	[tilespmem:s30+$0xFFFFFEC0] =	vst v6;
	v3 =	vld.idx.msk [tilespmem:v3+s17+$0x0], $0xffff  }
0x258: {  	[tilespmem:s30+$0xFFFFFCC0] =	vst v4;
	v6 =	vld [tilespmem:s31+$0xFFFFFF50]  }
0x259: {  	[tilespmem:s30+$0xFFFFFDC0] =	vst v5;
	v4 =	vld [tilespmem:s31+$0xFFFFFE50]  }
0x25a: {  	[tilespmem:s30+$0xFFFFFFC0] =	vst v2;
	v5 =	vld [tilespmem:s31+$0xFFFFFED0]  }
0x25b: {  	v2 =	vld [tilespmem:s31+$0xFFFFFFD0]  }
0x25c: {  	[tilespmem:s30+$0xC0] =	vst v8;
	v57 =	vld.idx.msk [tilespmem:v0+s3+$0x0], $0xffff  }
0x25d: {  	[tilespmem:s30+$0x1C0] =	vst v1;
	v1 =	vld [tilespmem:s31+$0x50]  }
0x25e: {  	[tilespmem:s30+$0x2C0] =	vst v3;
	v3 =	vld [tilespmem:s31+$0xD0]  }
0x25f: {  	v7 =	vld [tilespmem:s31+$0x150]  }
0x260: {  	v10 =	vld.idx.msk [tilespmem:v6+s3+$0x0], $0xffff  }
0x261: {  	v8 =	vld.idx.msk [tilespmem:v4+s3+$0x0], $0xffff  }
0x262: {  	v58 =	vld.idx.msk [tilespmem:v5+s3+$0x0], $0xffff  }
0x263: {  	[tilespmem:s30+$0x350] =	vst v57;
	v11 =	vld.idx.msk [tilespmem:v2+s3+$0x0], $0xffff  }
0x264: {  	v0 =	vld.idx.msk [tilespmem:v0+s17+$0x0], $0xffff  }
0x265: {  	v12 =	vld.idx.msk [tilespmem:v1+s3+$0x0], $0xffff  }
0x266: {  	v13 =	vld.idx.msk [tilespmem:v3+s3+$0x0], $0xffff;
	[tilespmem:s30+$0xFFFFFE50] =	vst v10  }
0x267: {  	[tilespmem:s30+$0xFFFFFC50] =	vst v8;
	v8 =	vld.idx.msk [tilespmem:v7+s3+$0x0], $0xffff  }
0x268: {  	[tilespmem:s30+$0xFFFFFD50] =	vst v58;
	v6 =	vld.idx.msk [tilespmem:v6+s17+$0x0], $0xffff  }
0x269: {  	[tilespmem:s30+$0xFFFFFF50] =	vst v11;
	v4 =	vld.idx.msk [tilespmem:v4+s17+$0x0], $0xffff  }
0x26a: {  	[tilespmem:s30+$0x3D0] =	vst v0;
	v5 =	vld.idx.msk [tilespmem:v5+s17+$0x0], $0xffff  }
0x26b: {  	v2 =	vld.idx.msk [tilespmem:v2+s17+$0x0], $0xffff;
	[tilespmem:s30+$0x50] =	vst v12  }
0x26c: {  	v0 =	vld [tilespmem:s31+$0x1E0];
	[tilespmem:s30+$0x150] =	vst v13  }
0x26d: {  	[tilespmem:s30+$0x250] =	vst v8  }
0x26e: {  	v1 =	vld.idx.msk [tilespmem:v1+s17+$0x0], $0xffff;
	[tilespmem:s30+$0xFFFFFED0] =	vst v6  }
0x26f: {  	v3 =	vld.idx.msk [tilespmem:v3+s17+$0x0], $0xffff;
	[tilespmem:s30+$0xFFFFFCD0] =	vst v4  }
0x270: {  	v4 =	vld.idx.msk [tilespmem:v7+s17+$0x0], $0xffff;
	[tilespmem:s30+$0xFFFFFDD0] =	vst v5  }
0x271: {  	[tilespmem:s30+$0xFFFFFFD0] =	vst v2;
	v2 =	vld [tilespmem:s31+$0xFFFFFF60]  }
0x272: {  	v5 =	vld [tilespmem:s31+$0xFFFFFEE0]  }
0x273: {  	[tilespmem:s30+$0xD0] =	vst v1;
	v1 =	vld [tilespmem:s31+$0xFFFFFFE0]  }
0x274: {  	v59 =	vld.idx.msk [tilespmem:v0+s3+$0x0], $0xffff  }
0x275: {  	[tilespmem:s30+$0x1D0] =	vst v3;
	v3 =	vld [tilespmem:s31+$0x60]  }
0x276: {  	[tilespmem:s30+$0x2D0] =	vst v4;
	v4 =	vld [tilespmem:s31+$0xE0]  }
0x277: {  	v6 =	vld [tilespmem:s31+$0x160]  }
0x278: {  	v7 =	vld [tilespmem:s31+$0xFFFFFE60]  }
0x279: {  	v10 =	vld.idx.msk [tilespmem:v2+s3+$0x0], $0xffff  }
0x27a: {  	[tilespmem:s30+$0x360] =	vst v59;
	v60 =	vld.idx.msk [tilespmem:v5+s3+$0x0], $0xffff  }
0x27b: {  	v0 =	vld.idx.msk [tilespmem:v0+s17+$0x0], $0xffff  }
0x27c: {  	v11 =	vld.idx.msk [tilespmem:v1+s3+$0x0], $0xffff  }
0x27d: {  	v12 =	vld.idx.msk [tilespmem:v3+s3+$0x0], $0xffff  }
0x27e: {  	v13 =	vld.idx.msk [tilespmem:v4+s3+$0x0], $0xffff  }
0x27f: {  	[tilespmem:s30+$0xFFFFFE60] =	vst v10;
	v14 =	vld.idx.msk [tilespmem:v6+s3+$0x0], $0xffff  }
0x280: {  	[tilespmem:s30+$0x3E0] =	vst v0;
	v0 =	vld.idx.msk [tilespmem:v7+s3+$0x0], $0xffff  }
0x281: {  	[tilespmem:s30+$0xFFFFFD60] =	vst v60;
	v2 =	vld.idx.msk [tilespmem:v2+s17+$0x0], $0xffff  }
0x282: {  	v5 =	vld.idx.msk [tilespmem:v5+s17+$0x0], $0xffff;
	[tilespmem:s30+$0xFFFFFF60] =	vst v11  }
0x283: {  	v8 =	vld [tilespmem:s31+$0x1F0];
	[tilespmem:s30+$0x60] =	vst v12  }
0x284: {  	v1 =	vld.idx.msk [tilespmem:v1+s17+$0x0], $0xffff;
	[tilespmem:s30+$0x160] =	vst v13  }
0x285: {  	v3 =	vld.idx.msk [tilespmem:v3+s17+$0x0], $0xffff;
	[tilespmem:s30+$0xFFFFFC60] =	vst v0  }
0x286: {  	[tilespmem:s30+$0x260] =	vst v14;
	v7 =	vld.idx.msk [tilespmem:v7+s17+$0x0], $0xffff  }
0x287: {  	v4 =	vld.idx.msk [tilespmem:v4+s17+$0x0], $0xffff;
	[tilespmem:s30+$0xFFFFFEE0] =	vst v2  }
0x288: {  	v6 =	vld.idx.msk [tilespmem:v6+s17+$0x0], $0xffff;
	[tilespmem:s30+$0xFFFFFDE0] =	vst v5  }
0x289: {  	v2 =	vld [tilespmem:s31+$0xFFFFFEF0];
	[tilespmem:s30+$0xFFFFFFE0] =	vst v1  }
0x28a: {  	v61 =	vld [tilespmem:s31+$0xFFFFFFF0]  }
0x28b: {  	v0 =	vld.idx.msk [tilespmem:v8+s3+$0x0], $0xffff;
	[tilespmem:s30+$0xFFFFFCE0] =	vst v7  }
0x28c: {  	[tilespmem:s30+$0xE0] =	vst v3;
	v5 =	vld [tilespmem:s31+$0xFFFFFE70]  }
0x28d: {  	v62 =	vld [tilespmem:s31+$0x70]  }
0x28e: {  	[tilespmem:s30+$0x1E0] =	vst v4;
	v7 =	vld [tilespmem:s31+$0xFFFFFF70]  }
0x28f: {  	v63 =	vld [tilespmem:s31+$0xF0];
	[tilespmem:s30+$0x2E0] =	vst v6  }
0x290: {  	[tilespmem:s30+$0x370] =	vst v0;
	v0 =	vld [tilespmem:s31+$0x170]  }
0x291: {  	v4 =	vld.idx.msk [tilespmem:v2+s3+$0x0], $0xffff  }
0x292: {  	v1 =	vld.idx.msk [tilespmem:v8+s17+$0x0], $0xffff  }
0x293: {  	v8 =	vld.idx.msk [tilespmem:v61+s3+$0x0], $0xffff  }
0x294: {  	v3 =	vld.idx.msk [tilespmem:v5+s3+$0x0], $0xffff  }
0x295: {  	v12 =	vld.idx.msk [tilespmem:v62+s3+$0x0], $0xffff  }
0x296: {  	v6 =	vld.idx.msk [tilespmem:v7+s3+$0x0], $0xffff  }
0x297: {  	v13 =	vld.idx.msk [tilespmem:v63+s3+$0x0], $0xffff;
	[tilespmem:s30+$0xFFFFFD70] =	vst v4  }
0x298: {  	[tilespmem:s30+$0x3F0] =	vst v1;
	v2 =	vld.idx.msk [tilespmem:v2+s17+$0x0], $0xffff  }
0x299: {  	v14 =	vld.idx.msk [tilespmem:v0+s3+$0x0], $0xffff;
	[tilespmem:s30+$0xFFFFFC70] =	vst v3  }
0x29a: {  	[tilespmem:s30+$0xFFFFFF70] =	vst v8;
	v1 =	vld.idx.msk [tilespmem:v5+s17+$0x0], $0xffff  }
0x29b: {  	v4 =	vld.idx.msk [tilespmem:v61+s17+$0x0], $0xffff;
	[tilespmem:s30+$0xFFFFFE70] =	vst v6  }
0x29c: {  	[tilespmem:s30+$0x170] =	vst v13;
	v3 =	vld.idx.msk [tilespmem:v7+s17+$0x0], $0xffff  }
0x29d: {  	[tilespmem:s30+$0x70] =	vst v12;
	v6 =	vld.idx.msk [tilespmem:v63+s17+$0x0], $0xffff  }
0x29e: {  	s1 =	simm.s32 $0x0;
	s4 =	simm.s32 $0x4600;
	s0 =	simm.s32 $0xC400;
	v5 =	vld.idx.msk [tilespmem:v62+s17+$0x0], $0xffff;
	[tilespmem:s30+$0x270] =	vst v14  }
.LBB2_16:
0x29f: {  	v7 =	vld [tilespmem:s4+$0x180];
	s1 =	sadd.s32 $0x8, s1;
	[tilespmem:s30+$0xFFFFFCF0] =	vst v1  }
0x2a0: {  	v1 =	vld [tilespmem:s4+$0xFFFFFE80];
	p2 =	slt.u32 s1, $0x78;
	[tilespmem:s30+$0xFFFFFDF0] =	vst v2  }
0x2a1: {  	v2 =	vld [tilespmem:s4+$0xFFFFFF00];
	[tilespmem:s30+$0xFFFFFEF0] =	vst v3  }
0x2a2: {  	v3 =	vld [tilespmem:s4+$0xFFFFFF80];
	[tilespmem:s30+$0xFFFFFFF0] =	vst v4  }
0x2a3: {  	v4 =	vld [tilespmem:s4+$0x0];
	[tilespmem:s30+$0xF0] =	vst v5  }
0x2a4: {  	v5 =	vld [tilespmem:s4+$0x80];
	[tilespmem:s30+$0x1F0] =	vst v6  }
0x2a5: {  	v6 =	vld [tilespmem:s4+$0x100]  }
0x2a6: {  	v8 =	vld [tilespmem:s4+$0xFFFFFE00]  }
0x2a7: {  	v9 =	vld.idx.msk [tilespmem:v7+s3+$0x0], $0xffff  }
0x2a8: {  	v10 =	vld.idx.msk [tilespmem:v1+s3+$0x0], $0xffff  }
0x2a9: {  	v11 =	vld.idx.msk [tilespmem:v2+s3+$0x0], $0xffff  }
0x2aa: {  	v12 =	vld.idx.msk [tilespmem:v3+s3+$0x0], $0xffff  }
0x2ab: {  	v13 =	vld.idx.msk [tilespmem:v4+s3+$0x0], $0xffff  }
0x2ac: {  	s30 =	sadd.s32 $0x800, s30;
	v14 =	vld.idx.msk [tilespmem:v5+s3+$0x0], $0xffff  }
0x2ad: {  	v15 =	vld.idx.msk [tilespmem:v6+s3+$0x0], $0xffff;
	[tilespmem:s30+$0x300] =	vst v9  }
0x2ae: {  	[tilespmem:s30+$0xFFFFFD00] =	vst v10;
	v7 =	vld.idx.msk [tilespmem:v7+s17+$0x0], $0xffff  }
0x2af: {  	v9 =	vld.idx.msk [tilespmem:v8+s3+$0x0], $0xffff;
	[tilespmem:s30+$0xFFFFFE00] =	vst v11  }
0x2b0: {  	v1 =	vld.idx.msk [tilespmem:v1+s17+$0x0], $0xffff;
	[tilespmem:s30+$0xFFFFFF00] =	vst v12  }
0x2b1: {  	v2 =	vld.idx.msk [tilespmem:v2+s17+$0x0], $0xffff;
	[tilespmem:s30+$0x0] =	vst v13  }
0x2b2: {  	v3 =	vld.idx.msk [tilespmem:v3+s17+$0x0], $0xffff;
	[tilespmem:s30+$0x100] =	vst v14  }
0x2b3: {  	v4 =	vld.idx.msk [tilespmem:v4+s17+$0x0], $0xffff;
	[tilespmem:s30+$0x200] =	vst v15  }
0x2b4: {  	v5 =	vld.idx.msk [tilespmem:v5+s17+$0x0], $0xffff;
	[tilespmem:s30+$0x380] =	vst v7  }
0x2b5: {  	[tilespmem:s30+$0xFFFFFC00] =	vst v9;
	v7 =	vld [tilespmem:s4+$0x190]  }
0x2b6: {  	v8 =	vld.idx.msk [tilespmem:v8+s17+$0x0], $0xffff;
	[tilespmem:s30+$0xFFFFFD80] =	vst v1  }
0x2b7: {  	[tilespmem:s30+$0xFFFFFE80] =	vst v2;
	v1 =	vld.idx.msk [tilespmem:v6+s17+$0x0], $0xffff  }
0x2b8: {  	v2 =	vld [tilespmem:s4+$0xFFFFFE90];
	[tilespmem:s30+$0xFFFFFF80] =	vst v3  }
0x2b9: {  	v3 =	vld [tilespmem:s4+$0xFFFFFF10];
	[tilespmem:s30+$0x80] =	vst v4  }
0x2ba: {  	v4 =	vld [tilespmem:s4+$0xFFFFFF90];
	[tilespmem:s30+$0x180] =	vst v5  }
0x2bb: {  	v5 =	vld [tilespmem:s4+$0x10]  }
0x2bc: {  	[tilespmem:s30+$0xFFFFFC80] =	vst v8;
	v6 =	vld [tilespmem:s4+$0x90]  }
0x2bd: {  	[tilespmem:s30+$0x280] =	vst v1;
	v1 =	vld.idx.msk [tilespmem:v7+s3+$0x0], $0xffff  }
0x2be: {  	v8 =	vld [tilespmem:s4+$0xFFFFFE10]  }
0x2bf: {  	v9 =	vld [tilespmem:s4+$0x110]  }
0x2c0: {  	v10 =	vld.idx.msk [tilespmem:v2+s3+$0x0], $0xffff  }
0x2c1: {  	v11 =	vld.idx.msk [tilespmem:v3+s3+$0x0], $0xffff  }
0x2c2: {  	v12 =	vld.idx.msk [tilespmem:v4+s3+$0x0], $0xffff  }
0x2c3: {  	v13 =	vld.idx.msk [tilespmem:v5+s3+$0x0], $0xffff;
	[tilespmem:s30+$0x310] =	vst v1  }
0x2c4: {  	v1 =	vld.idx.msk [tilespmem:v7+s17+$0x0], $0xffff  }
0x2c5: {  	v7 =	vld.idx.msk [tilespmem:v6+s3+$0x0], $0xffff  }
0x2c6: {  	v14 =	vld.idx.msk [tilespmem:v8+s3+$0x0], $0xffff;
	[tilespmem:s30+$0xFFFFFD10] =	vst v10  }
0x2c7: {  	[tilespmem:s30+$0xFFFFFE10] =	vst v11;
	v10 =	vld.idx.msk [tilespmem:v9+s3+$0x0], $0xffff  }
0x2c8: {  	v2 =	vld.idx.msk [tilespmem:v2+s17+$0x0], $0xffff;
	[tilespmem:s30+$0xFFFFFF10] =	vst v12  }
0x2c9: {  	v3 =	vld.idx.msk [tilespmem:v3+s17+$0x0], $0xffff;
	[tilespmem:s30+$0x10] =	vst v13  }
0x2ca: {  	v4 =	vld.idx.msk [tilespmem:v4+s17+$0x0], $0xffff;
	[tilespmem:s30+$0x390] =	vst v1  }
0x2cb: {  	[tilespmem:s30+$0x110] =	vst v7;
	v1 =	vld [tilespmem:s4+$0x1A0]  }
0x2cc: {  	[tilespmem:s30+$0xFFFFFC10] =	vst v14;
	v5 =	vld.idx.msk [tilespmem:v5+s17+$0x0], $0xffff  }
0x2cd: {  	v7 =	vld.idx.msk [tilespmem:v8+s17+$0x0], $0xffff;
	[tilespmem:s30+$0x210] =	vst v10  }
0x2ce: {  	[tilespmem:s30+$0xFFFFFD90] =	vst v2;
	v2 =	vld.idx.msk [tilespmem:v6+s17+$0x0], $0xffff  }
0x2cf: {  	[tilespmem:s30+$0xFFFFFE90] =	vst v3;
	v3 =	vld.idx.msk [tilespmem:v9+s17+$0x0], $0xffff  }
0x2d0: {  	v6 =	vld [tilespmem:s4+$0xFFFFFEA0];
	[tilespmem:s30+$0xFFFFFF90] =	vst v4  }
0x2d1: {  	v4 =	vld [tilespmem:s4+$0xFFFFFF20]  }
0x2d2: {  	v8 =	vld [tilespmem:s4+$0xFFFFFFA0];
	[tilespmem:s30+$0x90] =	vst v5  }
0x2d3: {  	[tilespmem:s30+$0xFFFFFC90] =	vst v7;
	v5 =	vld.idx.msk [tilespmem:v1+s3+$0x0], $0xffff  }
0x2d4: {  	v7 =	vld [tilespmem:s4+$0xFFFFFE20];
	[tilespmem:s30+$0x190] =	vst v2  }
0x2d5: {  	v2 =	vld [tilespmem:s4+$0x20];
	[tilespmem:s30+$0x290] =	vst v3  }
0x2d6: {  	v3 =	vld [tilespmem:s4+$0xA0]  }
0x2d7: {  	v9 =	vld [tilespmem:s4+$0x120]  }
0x2d8: {  	v10 =	vld.idx.msk [tilespmem:v6+s3+$0x0], $0xffff  }
0x2d9: {  	v11 =	vld.idx.msk [tilespmem:v4+s3+$0x0], $0xffff;
	[tilespmem:s30+$0x320] =	vst v5  }
0x2da: {  	v1 =	vld.idx.msk [tilespmem:v1+s17+$0x0], $0xffff  }
0x2db: {  	v5 =	vld.idx.msk [tilespmem:v8+s3+$0x0], $0xffff  }
0x2dc: {  	v12 =	vld.idx.msk [tilespmem:v7+s3+$0x0], $0xffff  }
0x2dd: {  	v13 =	vld.idx.msk [tilespmem:v2+s3+$0x0], $0xffff  }
0x2de: {  	[tilespmem:s30+$0xFFFFFD20] =	vst v10;
	v10 =	vld.idx.msk [tilespmem:v3+s3+$0x0], $0xffff  }
0x2df: {  	[tilespmem:s30+$0xFFFFFE20] =	vst v11;
	v11 =	vld.idx.msk [tilespmem:v9+s3+$0x0], $0xffff  }
0x2e0: {  	v6 =	vld.idx.msk [tilespmem:v6+s17+$0x0], $0xffff;
	[tilespmem:s30+$0x3A0] =	vst v1  }
0x2e1: {  	[tilespmem:s30+$0xFFFFFF20] =	vst v5;
	v1 =	vld [tilespmem:s4+$0x1B0]  }
0x2e2: {  	[tilespmem:s30+$0xFFFFFC20] =	vst v12;
	v4 =	vld.idx.msk [tilespmem:v4+s17+$0x0], $0xffff  }
0x2e3: {  	v5 =	vld.idx.msk [tilespmem:v7+s17+$0x0], $0xffff;
	[tilespmem:s30+$0x20] =	vst v13  }
0x2e4: {  	v7 =	vld.idx.msk [tilespmem:v8+s17+$0x0], $0xffff;
	[tilespmem:s30+$0x120] =	vst v10  }
0x2e5: {  	v2 =	vld.idx.msk [tilespmem:v2+s17+$0x0], $0xffff;
	[tilespmem:s30+$0x220] =	vst v11  }
0x2e6: {  	[tilespmem:s30+$0xFFFFFDA0] =	vst v6;
	v3 =	vld.idx.msk [tilespmem:v3+s17+$0x0], $0xffff  }
0x2e7: {  	v6 =	vld.idx.msk [tilespmem:v9+s17+$0x0], $0xffff  }
0x2e8: {  	v8 =	vld [tilespmem:s4+$0xFFFFFEB0];
	[tilespmem:s30+$0xFFFFFEA0] =	vst v4  }
0x2e9: {  	[tilespmem:s30+$0xFFFFFCA0] =	vst v5;
	v4 =	vld.idx.msk [tilespmem:v1+s3+$0x0], $0xffff  }
0x2ea: {  	v5 =	vld [tilespmem:s4+$0xFFFFFE30];
	[tilespmem:s30+$0xFFFFFFA0] =	vst v7  }
0x2eb: {  	v7 =	vld [tilespmem:s4+$0xFFFFFF30];
	[tilespmem:s30+$0xA0] =	vst v2  }
0x2ec: {  	v2 =	vld [tilespmem:s4+$0xFFFFFFB0];
	[tilespmem:s30+$0x1A0] =	vst v3  }
0x2ed: {  	v3 =	vld [tilespmem:s4+$0x30];
	[tilespmem:s30+$0x2A0] =	vst v6  }
0x2ee: {  	v6 =	vld [tilespmem:s4+$0xB0]  }
0x2ef: {  	v9 =	vld [tilespmem:s4+$0x130];
	[tilespmem:s30+$0x330] =	vst v4  }
0x2f0: {  	v1 =	vld.idx.msk [tilespmem:v1+s17+$0x0], $0xffff  }
0x2f1: {  	v4 =	vld.idx.msk [tilespmem:v8+s3+$0x0], $0xffff  }
0x2f2: {  	v10 =	vld.idx.msk [tilespmem:v5+s3+$0x0], $0xffff  }
0x2f3: {  	v11 =	vld.idx.msk [tilespmem:v7+s3+$0x0], $0xffff  }
0x2f4: {  	v12 =	vld.idx.msk [tilespmem:v2+s3+$0x0], $0xffff  }
0x2f5: {  	v13 =	vld.idx.msk [tilespmem:v3+s3+$0x0], $0xffff  }
0x2f6: {  	v14 =	vld.idx.msk [tilespmem:v6+s3+$0x0], $0xffff;
	[tilespmem:s30+$0x3B0] =	vst v1  }
0x2f7: {  	[tilespmem:s30+$0xFFFFFD30] =	vst v4;
	v1 =	vld [tilespmem:s4+$0x1C0]  }
0x2f8: {  	[tilespmem:s30+$0xFFFFFC30] =	vst v10;
	v4 =	vld.idx.msk [tilespmem:v9+s3+$0x0], $0xffff  }
0x2f9: {  	v5 =	vld.idx.msk [tilespmem:v5+s17+$0x0], $0xffff;
	[tilespmem:s30+$0xFFFFFE30] =	vst v11  }
0x2fa: {  	v8 =	vld.idx.msk [tilespmem:v8+s17+$0x0], $0xffff;
	[tilespmem:s30+$0xFFFFFF30] =	vst v12  }
0x2fb: {  	v7 =	vld.idx.msk [tilespmem:v7+s17+$0x0], $0xffff;
	[tilespmem:s30+$0x30] =	vst v13  }
0x2fc: {  	v2 =	vld.idx.msk [tilespmem:v2+s17+$0x0], $0xffff;
	[tilespmem:s30+$0x130] =	vst v14  }
0x2fd: {  	v3 =	vld.idx.msk [tilespmem:v3+s17+$0x0], $0xffff  }
0x2fe: {  	v6 =	vld.idx.msk [tilespmem:v6+s17+$0x0], $0xffff;
	[tilespmem:s30+$0x230] =	vst v4  }
0x2ff: {  	[tilespmem:s30+$0xFFFFFCB0] =	vst v5;
	v4 =	vld.idx.msk [tilespmem:v1+s3+$0x0], $0xffff  }
0x300: {  	[tilespmem:s30+$0xFFFFFDB0] =	vst v8;
	v5 =	vld.idx.msk [tilespmem:v9+s17+$0x0], $0xffff  }
0x301: {  	v8 =	vld [tilespmem:s4+$0xFFFFFE40];
	[tilespmem:s30+$0xFFFFFEB0] =	vst v7  }
0x302: {  	v7 =	vld [tilespmem:s4+$0xFFFFFEC0];
	[tilespmem:s30+$0xFFFFFFB0] =	vst v2  }
0x303: {  	v2 =	vld [tilespmem:s4+$0xFFFFFF40];
	[tilespmem:s30+$0xB0] =	vst v3  }
0x304: {  	v3 =	vld [tilespmem:s4+$0xFFFFFFC0];
	[tilespmem:s30+$0x1B0] =	vst v6  }
0x305: {  	v6 =	vld [tilespmem:s4+$0x40];
	[tilespmem:s30+$0x340] =	vst v4  }
0x306: {  	[tilespmem:s30+$0x2B0] =	vst v5;
	v1 =	vld.idx.msk [tilespmem:v1+s17+$0x0], $0xffff  }
0x307: {  	v4 =	vld [tilespmem:s4+$0xC0]  }
0x308: {  	v5 =	vld [tilespmem:s4+$0x140]  }
0x309: {  	v9 =	vld.idx.msk [tilespmem:v8+s3+$0x0], $0xffff  }
0x30a: {  	v10 =	vld.idx.msk [tilespmem:v7+s3+$0x0], $0xffff  }
0x30b: {  	v11 =	vld.idx.msk [tilespmem:v2+s3+$0x0], $0xffff  }
0x30c: {  	v12 =	vld.idx.msk [tilespmem:v3+s3+$0x0], $0xffff;
	[tilespmem:s30+$0x3C0] =	vst v1  }
0x30d: {  	v1 =	vld [tilespmem:s4+$0x1D0]  }
0x30e: {  	v13 =	vld.idx.msk [tilespmem:v6+s3+$0x0], $0xffff  }
0x30f: {  	[tilespmem:s30+$0xFFFFFC40] =	vst v9;
	v9 =	vld.idx.msk [tilespmem:v4+s3+$0x0], $0xffff  }
0x310: {  	[tilespmem:s30+$0xFFFFFD40] =	vst v10;
	v10 =	vld.idx.msk [tilespmem:v5+s3+$0x0], $0xffff  }
0x311: {  	v8 =	vld.idx.msk [tilespmem:v8+s17+$0x0], $0xffff;
	[tilespmem:s30+$0xFFFFFE40] =	vst v11  }
0x312: {  	v7 =	vld.idx.msk [tilespmem:v7+s17+$0x0], $0xffff;
	[tilespmem:s30+$0xFFFFFF40] =	vst v12  }
0x313: {  	v2 =	vld.idx.msk [tilespmem:v2+s17+$0x0], $0xffff  }
0x314: {  	v3 =	vld.idx.msk [tilespmem:v3+s17+$0x0], $0xffff;
	[tilespmem:s30+$0x40] =	vst v13  }
0x315: {  	[tilespmem:s30+$0x140] =	vst v9;
	v9 =	vld.idx.msk [tilespmem:v1+s3+$0x0], $0xffff  }
0x316: {  	v6 =	vld.idx.msk [tilespmem:v6+s17+$0x0], $0xffff;
	[tilespmem:s30+$0x240] =	vst v10  }
0x317: {  	[tilespmem:s30+$0xFFFFFCC0] =	vst v8;
	v4 =	vld.idx.msk [tilespmem:v4+s17+$0x0], $0xffff  }
0x318: {  	[tilespmem:s30+$0xFFFFFDC0] =	vst v7;
	v5 =	vld.idx.msk [tilespmem:v5+s17+$0x0], $0xffff  }
0x319: {  	v7 =	vld [tilespmem:s4+$0xFFFFFE50];
	[tilespmem:s30+$0xFFFFFEC0] =	vst v2  }
0x31a: {  	v2 =	vld [tilespmem:s4+$0xFFFFFED0];
	[tilespmem:s30+$0xFFFFFFC0] =	vst v3  }
0x31b: {  	v3 =	vld [tilespmem:s4+$0xFFFFFF50];
	[tilespmem:s30+$0x350] =	vst v9  }
0x31c: {  	[tilespmem:s30+$0xC0] =	vst v6;
	v1 =	vld.idx.msk [tilespmem:v1+s17+$0x0], $0xffff  }
0x31d: {  	v6 =	vld [tilespmem:s4+$0xFFFFFFD0];
	[tilespmem:s30+$0x1C0] =	vst v4  }
0x31e: {  	v4 =	vld [tilespmem:s4+$0x50];
	[tilespmem:s30+$0x2C0] =	vst v5  }
0x31f: {  	v5 =	vld [tilespmem:s4+$0xD0]  }
0x320: {  	v8 =	vld [tilespmem:s4+$0x150]  }
0x321: {  	v9 =	vld.idx.msk [tilespmem:v7+s3+$0x0], $0xffff  }
0x322: {  	v10 =	vld.idx.msk [tilespmem:v2+s3+$0x0], $0xffff;
	[tilespmem:s30+$0x3D0] =	vst v1  }
0x323: {  	v1 =	vld [tilespmem:s4+$0x1E0]  }
0x324: {  	v11 =	vld.idx.msk [tilespmem:v3+s3+$0x0], $0xffff  }
0x325: {  	v12 =	vld.idx.msk [tilespmem:v6+s3+$0x0], $0xffff  }
0x326: {  	v13 =	vld.idx.msk [tilespmem:v4+s3+$0x0], $0xffff  }
0x327: {  	[tilespmem:s30+$0xFFFFFC50] =	vst v9;
	v9 =	vld.idx.msk [tilespmem:v5+s3+$0x0], $0xffff  }
0x328: {  	[tilespmem:s30+$0xFFFFFD50] =	vst v10;
	v10 =	vld.idx.msk [tilespmem:v8+s3+$0x0], $0xffff  }
0x329: {  	v7 =	vld.idx.msk [tilespmem:v7+s17+$0x0], $0xffff  }
0x32a: {  	v2 =	vld.idx.msk [tilespmem:v2+s17+$0x0], $0xffff;
	[tilespmem:s30+$0xFFFFFE50] =	vst v11  }
0x32b: {  	[tilespmem:s30+$0xFFFFFF50] =	vst v12;
	v11 =	vld.idx.msk [tilespmem:v1+s3+$0x0], $0xffff  }
0x32c: {  	v3 =	vld.idx.msk [tilespmem:v3+s17+$0x0], $0xffff;
	[tilespmem:s30+$0x50] =	vst v13  }
0x32d: {  	v6 =	vld.idx.msk [tilespmem:v6+s17+$0x0], $0xffff;
	[tilespmem:s30+$0x150] =	vst v9  }
0x32e: {  	v4 =	vld.idx.msk [tilespmem:v4+s17+$0x0], $0xffff;
	[tilespmem:s30+$0x250] =	vst v10  }
0x32f: {  	[tilespmem:s30+$0xFFFFFCD0] =	vst v7;
	v5 =	vld.idx.msk [tilespmem:v5+s17+$0x0], $0xffff  }
0x330: {  	[tilespmem:s30+$0xFFFFFDD0] =	vst v2;
	v2 =	vld.idx.msk [tilespmem:v8+s17+$0x0], $0xffff  }
0x331: {  	v7 =	vld [tilespmem:s4+$0xFFFFFE60];
	[tilespmem:s30+$0x360] =	vst v11  }
0x332: {  	[tilespmem:s30+$0xFFFFFED0] =	vst v3;
	v1 =	vld.idx.msk [tilespmem:v1+s17+$0x0], $0xffff  }
0x333: {  	v3 =	vld [tilespmem:s4+$0xFFFFFEE0];
	[tilespmem:s30+$0xFFFFFFD0] =	vst v6  }
0x334: {  	v6 =	vld [tilespmem:s4+$0xFFFFFF60];
	[tilespmem:s30+$0xD0] =	vst v4  }
0x335: {  	v4 =	vld [tilespmem:s4+$0xFFFFFFE0];
	[tilespmem:s30+$0x1D0] =	vst v5  }
0x336: {  	v5 =	vld [tilespmem:s4+$0x60];
	[tilespmem:s30+$0x2D0] =	vst v2  }
0x337: {  	v2 =	vld [tilespmem:s4+$0xE0]  }
0x338: {  	v8 =	vld [tilespmem:s4+$0x160];
	[tilespmem:s30+$0x3E0] =	vst v1  }
0x339: {  	v1 =	vld [tilespmem:s4+$0x1F0]  }
0x33a: {  	v9 =	vld.idx.msk [tilespmem:v7+s3+$0x0], $0xffff  }
0x33b: {  	v10 =	vld.idx.msk [tilespmem:v3+s3+$0x0], $0xffff  }
0x33c: {  	v11 =	vld.idx.msk [tilespmem:v6+s3+$0x0], $0xffff  }
0x33d: {  	v12 =	vld.idx.msk [tilespmem:v4+s3+$0x0], $0xffff  }
0x33e: {  	v13 =	vld.idx.msk [tilespmem:v5+s3+$0x0], $0xffff  }
0x33f: {  	v14 =	vld.idx.msk [tilespmem:v2+s3+$0x0], $0xffff  }
0x340: {  	[tilespmem:s30+$0xFFFFFC60] =	vst v9;
	v9 =	vld.idx.msk [tilespmem:v8+s3+$0x0], $0xffff  }
0x341: {  	[tilespmem:s30+$0xFFFFFD60] =	vst v10;
	v10 =	vld.idx.msk [tilespmem:v1+s3+$0x0], $0xffff  }
0x342: {  	v7 =	vld.idx.msk [tilespmem:v7+s17+$0x0], $0xffff;
	[tilespmem:s30+$0xFFFFFE60] =	vst v11  }
0x343: {  	v3 =	vld.idx.msk [tilespmem:v3+s17+$0x0], $0xffff;
	[tilespmem:s30+$0xFFFFFF60] =	vst v12  }
0x344: {  	v6 =	vld.idx.msk [tilespmem:v6+s17+$0x0], $0xffff;
	[tilespmem:s30+$0x60] =	vst v13  }
0x345: {  	v4 =	vld.idx.msk [tilespmem:v4+s17+$0x0], $0xffff;
	[tilespmem:s30+$0x160] =	vst v14  }
0x346: {  	v5 =	vld.idx.msk [tilespmem:v5+s17+$0x0], $0xffff;
	[tilespmem:s30+$0x260] =	vst v9  }
0x347: {  	v2 =	vld.idx.msk [tilespmem:v2+s17+$0x0], $0xffff;
	[tilespmem:s30+$0x370] =	vst v10  }
0x348: {  	[tilespmem:s30+$0xFFFFFCE0] =	vst v7;
	v1 =	vld.idx.msk [tilespmem:v1+s17+$0x0], $0xffff  }
0x349: {  	[tilespmem:s30+$0xFFFFFDE0] =	vst v3;
	v3 =	vld.idx.msk [tilespmem:v8+s17+$0x0], $0xffff  }
0x34a: {  	v7 =	vld [tilespmem:s4+$0xFFFFFE70];
	[tilespmem:s30+$0xFFFFFEE0] =	vst v6  }
0x34b: {  	v6 =	vld [tilespmem:s4+$0xFFFFFEF0];
	[tilespmem:s30+$0xFFFFFFE0] =	vst v4  }
0x34c: {  	v4 =	vld [tilespmem:s4+$0xFFFFFF70];
	[tilespmem:s30+$0xE0] =	vst v5  }
0x34d: {  	v5 =	vld [tilespmem:s4+$0xFFFFFFF0];
	[tilespmem:s30+$0x1E0] =	vst v2  }
0x34e: {  	v8 =	vld [tilespmem:s4+$0x70];
	[tilespmem:s30+$0x3F0] =	vst v1  }
0x34f: {  	v9 =	vld [tilespmem:s4+$0xF0];
	[tilespmem:s30+$0x2E0] =	vst v3  }
0x350: {  	v1 =	vld [tilespmem:s4+$0x170]  }
0x351: {  	v2 =	vld.idx.msk [tilespmem:v0+s17+$0x0], $0xffff  }
0x352: {  	v3 =	vld.idx.msk [tilespmem:v7+s3+$0x0], $0xffff  }
0x353: {  	v10 =	vld.idx.msk [tilespmem:v6+s3+$0x0], $0xffff  }
0x354: {  	v11 =	vld.idx.msk [tilespmem:v4+s3+$0x0], $0xffff  }
0x355: {  	v12 =	vld.idx.msk [tilespmem:v5+s3+$0x0], $0xffff;
	v0 =	vmov v1  }
0x356: {  	v13 =	vld.idx.msk [tilespmem:v8+s3+$0x0], $0xffff  }
0x357: {  	v14 =	vld.idx.msk [tilespmem:v9+s3+$0x0], $0xffff;
	[tilespmem:s0+$0x2F0] =	vst v2;
	s0 =	smov.u32 s30  }
0x358: {  	[tilespmem:s30+$0xFFFFFC70] =	vst v3;
	v15 =	vld.idx.msk [tilespmem:v1+s3+$0x0], $0xffff  }
0x359: {  	v1 =	vld.idx.msk [tilespmem:v7+s17+$0x0], $0xffff;
	[tilespmem:s30+$0xFFFFFD70] =	vst v10  }
.Ltmp12:
0x35a: {  	v2 =	vld.idx.msk [tilespmem:v6+s17+$0x0], $0xffff;
	[tilespmem:s30+$0xFFFFFE70] =	vst v11;
	(pc) =	sbr.rel @p2 .LBB2_16-.Ltmp12, $4  }
0x35b: {  	v3 =	vld.idx.msk [tilespmem:v4+s17+$0x0], $0xffff;
	[tilespmem:s30+$0xFFFFFF70] =	vst v12  }
0x35c: {  	v4 =	vld.idx.msk [tilespmem:v5+s17+$0x0], $0xffff;
	[tilespmem:s30+$0x70] =	vst v13  }
0x35d: {  	v5 =	vld.idx.msk [tilespmem:v8+s17+$0x0], $0xffff;
	[tilespmem:s30+$0x170] =	vst v14  }
0x35e: {  	s4 =	sadd.s32 $0x400, s4;
	v6 =	vld.idx.msk [tilespmem:v9+s17+$0x0], $0xffff;
	[tilespmem:s30+$0x270] =	vst v15  }
0x35f: {  	_ =	sdelay $0x2  }
0x360: {  	[tilespmem:s30+$0xFFFFFCF0] =	vst v1  }
0x361: {  	[tilespmem:s30+$0xFFFFFDF0] =	vst v2;
	v0 =	vld.idx.msk [tilespmem:v0+s17+$0x0], $0xffff  }
0x362: {  	[tilespmem:s30+$0xFFFFFEF0] =	vst v3  }
.Ltmp13:
0x363: {  	[tilespmem:s30+$0xFFFFFFF0] =	vst v4;
	(pc) =	sbr.rel .LBB2_2-.Ltmp13, $4  }
0x364: {  	[tilespmem:s30+$0xF0] =	vst v5  }
0x365: {  	s1 =	sshll.u32 s29, $0xF;
	[tilespmem:s30+$0x1F0] =	vst v6  }
0x366: {  	s29 =	sadd.s32 $0x1, s29;
	s31 =	sadd.s32 s1, s7;
	[tilespmem:s0+$0x2F0] =	vst v0  }
0x367: {  	[hbm4b:s31+s18] =	stream.strided.scatter [tilespmem:s24], [sflag:$0x5], $0x8000, s19, s18, $0x38;
	[tilespmem:$0x1C800] =	vst v63  }
.LBB2_19:
0x368: {  	_ =	sfence.sel $0x180000  }
0x369: {  	[bflag:$0x0] =	sbarrier.arrive $0xFFFF  }
0x36a: {  	_ =	strace $0x90000047  }
0x36b: {  	[bflag:$0x2] =	sbarrier.arrive $0xFFFF  }
0x36c: {  	s0 =	rddreg [dreg:$0x4]  }
0x36d: {  	s0 =	sadd.s32 @!p0 $0x100000, s0  }
0x36e: {  	[sflag:s0] =	ssyncadd.tile.s32 @!p0 $0x1;
	_ =	shalt  }
.Lfunc_end2:
_tile_overlayer_lowered:
.L_overlay_start_2:
0x36f: {  	(tag) =	ssettag $0x2  }
0x370: {  	s0 =	rddreg [dreg:$0x0];
	s2 =	stileid.u32  }
0x371: {  	s1 =	rddreg [dreg:$0x1];
	p0 =	sne.s32 s2, $0x0  }
0x372: {  	s3 =	rddreg [dreg:$0x2];
	[bflag:$0x3] =	sbarrier.arrive $0xFFFF;
	s2 =	simm.s32 @!p0 $0x1C07  }
0x373: {  	[timem:s3], [sflag:s2] =	dma.local @!p0 [hbm:s0], s1  }
0x374: {  	s0 =	simm.s32 @!p0 $0x7  }
0x375: {  	_ =	swait.ge @!p0 [sflag:s0], s1  }
0x376: {  	s1 =	ssub.s32 @!p0 $0x0, s1;
	[sflag:s0] =	ssyncset.done @!p0 $0x0  }
0x377: {  	[sflag:s0] =	ssyncadd.s32 @!p0 s1  }
0x378: {  	[bflag:$0x3] =	sbarrier.arrive $0xFFFF  }
0x379: {  	_ =	shalt  }

</sc_bundles>
